<compile_context>
chip_gen: v7x
topology: tpu7x:2x2x1
jax: 0.10.2.dev20260603
libtpu: 0.0.44.dev20260713+nightly
codegen_flags: <defaults>
</compile_context>

<pallas_src>
import functools

import jax
import jax.numpy as jnp
from jax import lax
from jax.experimental import pallas as pl
from jax.experimental.pallas import tpu as pltpu
from jax.experimental.pallas import tpu_sc as plsc

N_NODES = 10000
N_PAD = 10240
D_FEAT = 128
N_EDGES = 320000
NUM_CORES = 2
NUM_SUBCORES = 16
NUM_WORKERS = NUM_CORES * NUM_SUBCORES
EDGES_PER_WORKER = N_EDGES // NUM_WORKERS
EPW_PAD = 10000
CHUNK = 80
NUM_CHUNKS = EPW_PAD // CHUNK
GROUPS = EDGES_PER_WORKER // 16
ROWS_PER_TILE = N_PAD // NUM_SUBCORES


def _make_mesh():
    return plsc.VectorSubcoreMesh(core_axis_name="c", subcore_axis_name="s")


def _make_agg():

    @functools.partial(
        pl.kernel,
        mesh=_make_mesh(),
        compiler_params=pltpu.CompilerParams(use_tc_tiling_on_sc=False),
        out_type=jax.ShapeDtypeStruct((NUM_CORES, N_PAD, D_FEAT), jnp.float32),
        scratch_types=[
            pltpu.VMEM((NUM_CHUNKS, CHUNK), jnp.int32),
            pltpu.VMEM((NUM_CHUNKS, CHUNK), jnp.int32),
            pltpu.VMEM((CHUNK, D_FEAT), jnp.float32),
            pltpu.VMEM((CHUNK, D_FEAT), jnp.float32),
            pltpu.VMEM_SHARED((N_PAD, D_FEAT), jnp.float32),
            pltpu.SemaphoreType.DMA,
            pltpu.SemaphoreType.DMA,
        ],
    )
    def agg(
        x_hbm, src_hbm, dst_hbm, zeros_hbm, out_hbm,
        src_v, dst_v, rows_a, rows_b, acc_sh, sem_a, sem_b,
    ):
        cid = lax.axis_index("c")
        sid = lax.axis_index("s")
        wid = cid * NUM_SUBCORES + sid
        row0 = sid * ROWS_PER_TILE
        pltpu.sync_copy(
            zeros_hbm.at[pl.ds(row0, ROWS_PER_TILE)],
            acc_sh.at[pl.ds(row0, ROWS_PER_TILE)],
        )
        pltpu.sync_copy(src_hbm.at[wid], src_v)
        pltpu.sync_copy(dst_hbm.at[wid], dst_v)
        plsc.subcore_barrier()

        def gather(c, rows, sem):
            return pltpu.make_async_copy(x_hbm.at[src_v.at[c]], rows, sem)

        def scatter(c, rows):
            pltpu.sync_copy(rows, acc_sh.at[dst_v.at[c]], add=True)

        gather(0, rows_a, sem_a).start()

        def body(g, carry):
            c1 = 2 * g + 1
            gather(c1, rows_b, sem_b).start()
            gather(c1 - 1, rows_a, sem_a).wait()
            scatter(c1 - 1, rows_a)
            gather(c1 + 1, rows_a, sem_a).start()
            gather(c1, rows_b, sem_b).wait()
            scatter(c1, rows_b)
            return carry

        lax.fori_loop(0, (NUM_CHUNKS - 1) // 2, body, 0)
        gather(NUM_CHUNKS - 1, rows_a, sem_a).wait()
        scatter(NUM_CHUNKS - 1, rows_a)
        plsc.subcore_barrier()
        pltpu.sync_copy(
            acc_sh.at[pl.ds(row0, ROWS_PER_TILE)],
            out_hbm.at[cid, pl.ds(row0, ROWS_PER_TILE)],
        )

    return agg


def _make_deg():

    @functools.partial(
        pl.kernel,
        mesh=_make_mesh(),
        compiler_params=pltpu.CompilerParams(needs_layout_passes=False),
        out_type=jax.ShapeDtypeStruct((NUM_WORKERS, N_PAD), jnp.float32),
        scratch_types=[
            pltpu.VMEM((GROUPS, 16), jnp.int32),
            pltpu.VMEM((N_PAD,), jnp.float32),
        ],
    )
    def deg(dst_hbm, zeros_hbm, out_hbm, dst_v, hist_v):
        cid = lax.axis_index("c")
        sid = lax.axis_index("s")
        wid = cid * NUM_SUBCORES + sid
        pltpu.sync_copy(zeros_hbm, hist_v)
        pltpu.sync_copy(dst_hbm.at[wid], dst_v)
        ones = jnp.full((16,), 1.0, jnp.float32)

        def body(g, carry):
            idx = dst_v[g, :]
            plsc.addupdate_scatter(hist_v, [idx], ones)
            return carry

        lax.fori_loop(0, GROUPS, body, 0)
        pltpu.sync_copy(hist_v, out_hbm.at[wid])

    return deg


_BLK = 1024


def _make_linear(d_out, relu):

    def body(m0_ref, m1_ref, d_ref, w_ref, b_ref, o_ref):
        m = m0_ref[...] + m1_ref[...]
        deg = jnp.sum(d_ref[...], axis=0)[:, None]
        deg = jnp.maximum(deg, 1.0)
        h = jnp.dot(m / deg, w_ref[...], preferred_element_type=jnp.float32)
        h = h + b_ref[...]
        if relu:
            h = jnp.maximum(h, 0.0)
        o_ref[...] = h

    return pl.pallas_call(
        body,
        grid=(N_PAD // _BLK,),
        in_specs=[
            pl.BlockSpec((_BLK, D_FEAT), lambda i: (i, 0)),
            pl.BlockSpec((_BLK, D_FEAT), lambda i: (i, 0)),
            pl.BlockSpec((NUM_WORKERS, _BLK), lambda i: (0, i)),
            pl.BlockSpec((D_FEAT, d_out), lambda i: (0, 0)),
            pl.BlockSpec((1, d_out), lambda i: (0, 0)),
        ],
        out_specs=pl.BlockSpec((_BLK, d_out), lambda i: (i, 0)),
        out_shape=jax.ShapeDtypeStruct((N_PAD, d_out), jnp.float32),
    )


def kernel(x, edge_index, W0, b0, W1, b1):
    src = edge_index[0].reshape(NUM_WORKERS, NUM_CHUNKS, CHUNK)
    dst = edge_index[1].reshape(NUM_WORKERS, NUM_CHUNKS, CHUNK)
    dst_g = edge_index[1].reshape(NUM_WORKERS, GROUPS, 16)

    zeros_nd = jnp.zeros((N_PAD, D_FEAT), jnp.float32)
    zeros_n = jnp.zeros((N_PAD,), jnp.float32)

    agg = _make_agg()
    degp = _make_deg()(dst_g, zeros_n)
    mp = agg(x, src, dst, zeros_nd)
    h = _make_linear(D_FEAT, True)(mp[0], mp[1], degp, W0, b0.reshape(1, D_FEAT))
    mp2 = agg(h, src, dst, zeros_nd)
    n_classes = W1.shape[1]
    out = _make_linear(n_classes, False)(
        mp2[0], mp2[1], degp, W1, b1.reshape(1, n_classes)
    )
    return out[:N_NODES]

# --- scband reference (transcript-rebuilt; emitter-appended) ---
"""Pipeline reference for scband-gcnsampling-18141941859038 (READ-ONLY COPY).

The authoritative reference and input builder live on the scoring server;
editing this copy changes nothing except your own understanding.
"""

import jax, jax.numpy as jnp
import numpy as np

N = 10000
E = 320000
D_IN = 128
D_HID = 128
N_CLASSES = 16


def setup_inputs(seed: int = 0) -> dict:
    key = jax.random.key(seed)
    k1, k2, k3, k4 = jax.random.split(key, 4)
    x = jax.random.normal(k1, (N, D_IN), dtype=jnp.float32)
    edge_index = jax.random.randint(k2, (2, E), 0, N, dtype=jnp.int32)
    # Learned params: layer0 (in->hidden, relu), layer1 (hidden->classes, no act)
    W0 = jax.random.normal(k3, (D_IN, D_HID), dtype=jnp.float32) * 0.05
    b0 = jnp.zeros((D_HID,), dtype=jnp.float32)
    W1 = jax.random.normal(k4, (D_HID, N_CLASSES), dtype=jnp.float32) * 0.05
    b1 = jnp.zeros((N_CLASSES,), dtype=jnp.float32)
    return {"x": x, "edge_index": edge_index, "W0": W0, "b0": b0, "W1": W1, "b1": b1}


def reference(x, edge_index, W0, b0, W1, b1):
    # GCNSampling with n_layers=1, dropout=0: two NodeUpdate layers,
    # each preceded by copy_src + mean aggregation (block_compute).
    src = edge_index[0]
    dst = edge_index[1]
    n = x.shape[0]
    ones = jnp.ones((src.shape[0],), dtype=x.dtype)
    deg = jax.ops.segment_sum(ones, dst, num_segments=n)
    deg = jnp.maximum(deg, 1.0)[:, None]

    h = x
    # block 0: mean aggregation then NodeUpdate(in_feats -> n_hidden) with relu
    m = jax.ops.segment_sum(h[src], dst, num_segments=n) / deg
    h = jax.nn.relu(m @ W0 + b0)
    # block 1: mean aggregation then NodeUpdate(n_hidden -> n_classes), no activation
    m = jax.ops.segment_sum(h[src], dst, num_segments=n) / deg
    h = m @ W1 + b1
    return h

if __name__ == "__main__":
    import jax
    _d = setup_inputs()
    print(jax.jit(kernel)(*tuple(_d.values())))

</pallas_src>

<mosaic_0001>
#map = affine_map<(d0, d1) -> (0, 0, 0)>
#map1 = affine_map<(d0, d1) -> (0)>
#map2 = affine_map<(d0, d1) -> (0, 0)>
module attributes {stable_mosaic.version = 14 : i64} {
  func.func @deg(%arg0: i32, %arg1: i32, %arg2: memref<32x625x16xi32, #tpu.memory_space<hbm>>, %arg3: memref<10240xf32, #tpu.memory_space<hbm>>, %arg4: memref<32x10240xf32, #tpu.memory_space<hbm>>, %arg5: memref<625x16xi32, #tpu.memory_space<vmem>>, %arg6: memref<10240xf32, #tpu.memory_space<vmem>>) attributes {dimension_semantics = [#tpu.dimension_semantics<core_parallel>, #tpu.dimension_semantics<subcore_parallel>], iteration_bounds = array<i64: 2, 16>, scalar_prefetch = 0 : i64, scratch_operands = 2 : i64, tpu.core_type = #tpu.core_type<sc_vector_subcore>, window_params = [{transform_indices = #map}, {transform_indices = #map1}, {transform_indices = #map2}]} {
    %mul3A = arith.constant 16 : i32
    %mul3A_0 = arith.muli %arg0, %mul3A : i32
    %add3A = arith.addi %mul3A_0, %arg1 : i32
    "tpu.region"() ({
      %run_scoped3A = tpu.sem_alloc : memref<!tpu.dma_semaphore, #tpu.memory_space<semaphore_mem>>
      tpu.enqueue_dma source(%arg3 : memref<10240xf32, #tpu.memory_space<hbm>>) target(%arg6 : memref<10240xf32, #tpu.memory_space<vmem>>) target_semaphore(%run_scoped3A : memref<!tpu.dma_semaphore, #tpu.memory_space<semaphore_mem>>)
      tpu.wait_dma2 semaphore(%run_scoped3A : memref<!tpu.dma_semaphore, #tpu.memory_space<semaphore_mem>>) src(%arg3 : memref<10240xf32, #tpu.memory_space<hbm>>) dst(%arg6 : memref<10240xf32, #tpu.memory_space<vmem>>)
      tpu.yield
    }) : () -> ()
    "tpu.region"() ({
      %run_scoped3A = tpu.sem_alloc : memref<!tpu.dma_semaphore, #tpu.memory_space<semaphore_mem>>
      %dma_start3A = arith.constant 0 : i32
      %dma_start3A_7 = arith.constant 0 : i32
      %dma_start3A_8 = tpu.memref_slice %arg2[%add3A, %dma_start3A, %dma_start3A_7] : memref<32x625x16xi32, #tpu.memory_space<hbm>> -> memref<1x625x16xi32, #tpu.memory_space<hbm>>
      %dma_start3A_9 = tpu.memref_squeeze %dma_start3A_8 : memref<1x625x16xi32, #tpu.memory_space<hbm>> -> memref<625x16xi32, #tpu.memory_space<hbm>>
      %dma_start3A_10 = arith.constant 0 : i32
      %dma_start3A_11 = arith.constant 0 : i32
      %dma_start3A_12 = tpu.memref_slice %arg2[%add3A, %dma_start3A_10, %dma_start3A_11] : memref<32x625x16xi32, #tpu.memory_space<hbm>> -> memref<1x625x16xi32, #tpu.memory_space<hbm>>
      %dma_start3A_13 = tpu.memref_squeeze %dma_start3A_12 : memref<1x625x16xi32, #tpu.memory_space<hbm>> -> memref<625x16xi32, #tpu.memory_space<hbm>>
      tpu.enqueue_dma source(%dma_start3A_13 : memref<625x16xi32, #tpu.memory_space<hbm>>) target(%arg5 : memref<625x16xi32, #tpu.memory_space<vmem>>) target_semaphore(%run_scoped3A : memref<!tpu.dma_semaphore, #tpu.memory_space<semaphore_mem>>)
      %dma_wait3A = arith.constant 0 : i32
      %dma_wait3A_14 = arith.constant 0 : i32
      %dma_wait3A_15 = tpu.memref_slice %arg2[%add3A, %dma_wait3A, %dma_wait3A_14] : memref<32x625x16xi32, #tpu.memory_space<hbm>> -> memref<1x625x16xi32, #tpu.memory_space<hbm>>
      %dma_wait3A_16 = tpu.memref_squeeze %dma_wait3A_15 : memref<1x625x16xi32, #tpu.memory_space<hbm>> -> memref<625x16xi32, #tpu.memory_space<hbm>>
      %dma_wait3A_17 = arith.constant 0 : i32
      %dma_wait3A_18 = arith.constant 0 : i32
      %dma_wait3A_19 = tpu.memref_slice %arg2[%add3A, %dma_wait3A_17, %dma_wait3A_18] : memref<32x625x16xi32, #tpu.memory_space<hbm>> -> memref<1x625x16xi32, #tpu.memory_space<hbm>>
      %dma_wait3A_20 = tpu.memref_squeeze %dma_wait3A_19 : memref<1x625x16xi32, #tpu.memory_space<hbm>> -> memref<625x16xi32, #tpu.memory_space<hbm>>
      tpu.wait_dma2 semaphore(%run_scoped3A : memref<!tpu.dma_semaphore, #tpu.memory_space<semaphore_mem>>) src(%dma_wait3A_20 : memref<625x16xi32, #tpu.memory_space<hbm>>) dst(%arg5 : memref<625x16xi32, #tpu.memory_space<vmem>>)
      tpu.yield
    }) : () -> ()
    %broadcast_in_dim3A = arith.constant 1.000000e+00 : f32
    %broadcast_in_dim3A_1 = vector.broadcast %broadcast_in_dim3A : f32 to vector<16xf32>
    %scan3A = arith.constant 0 : i32
    %scan3A_2 = arith.constant 0 : i32
    %scan3A_3 = arith.constant 625 : i32
    %scan3A_4 = arith.addi %scan3A_2, %scan3A_3 : i32
    %scan3A_5 = arith.constant 1 : i32
    scf.for %scan3A_7 = %scan3A_2 to %scan3A_4 step %scan3A_5  : i32 {
      %get3A = arith.index_cast %scan3A_7 : i32 to index
      %get3A_8 = arith.constant 0 : index
      %get3A_9 = tpu.vector_load %arg5[%get3A, %get3A_8] {strides = array<i32>} : memref<625x16xi32, #tpu.memory_space<vmem>>, vector<16xi32>,
      tpu.vector_store_idx %arg6[%get3A_9], %broadcast_in_dim3A_1 {add = true} : memref<10240xf32, #tpu.memory_space<vmem>>[vector<16xi32>], vector<16xf32>,
    }
    %scan3A_6 = arith.constant 625 : i32
    "tpu.region"() ({
      %run_scoped3A = tpu.sem_alloc : memref<!tpu.dma_semaphore, #tpu.memory_space<semaphore_mem>>
      %dma_start3A = arith.constant 0 : i32
      %dma_start3A_7 = tpu.memref_slice %arg4[%add3A, %dma_start3A] : memref<32x10240xf32, #tpu.memory_space<hbm>> -> memref<1x10240xf32, #tpu.memory_space<hbm>>
      %dma_start3A_8 = tpu.memref_squeeze %dma_start3A_7 : memref<1x10240xf32, #tpu.memory_space<hbm>> -> memref<10240xf32, #tpu.memory_space<hbm>>
      %dma_start3A_9 = arith.constant 0 : i32
      %dma_start3A_10 = tpu.memref_slice %arg4[%add3A, %dma_start3A_9] : memref<32x10240xf32, #tpu.memory_space<hbm>> -> memref<1x10240xf32, #tpu.memory_space<hbm>>
      %dma_start3A_11 = tpu.memref_squeeze %dma_start3A_10 : memref<1x10240xf32, #tpu.memory_space<hbm>> -> memref<10240xf32, #tpu.memory_space<hbm>>
      tpu.enqueue_dma source(%arg6 : memref<10240xf32, #tpu.memory_space<vmem>>) target(%dma_start3A_11 : memref<10240xf32, #tpu.memory_space<hbm>>) target_semaphore(%run_scoped3A : memref<!tpu.dma_semaphore, #tpu.memory_space<semaphore_mem>>)
      %dma_wait3A = arith.constant 0 : i32
      %dma_wait3A_12 = tpu.memref_slice %arg4[%add3A, %dma_wait3A] : memref<32x10240xf32, #tpu.memory_space<hbm>> -> memref<1x10240xf32, #tpu.memory_space<hbm>>
      %dma_wait3A_13 = tpu.memref_squeeze %dma_wait3A_12 : memref<1x10240xf32, #tpu.memory_space<hbm>> -> memref<10240xf32, #tpu.memory_space<hbm>>
      %dma_wait3A_14 = arith.constant 0 : i32
      %dma_wait3A_15 = tpu.memref_slice %arg4[%add3A, %dma_wait3A_14] : memref<32x10240xf32, #tpu.memory_space<hbm>> -> memref<1x10240xf32, #tpu.memory_space<hbm>>
      %dma_wait3A_16 = tpu.memref_squeeze %dma_wait3A_15 : memref<1x10240xf32, #tpu.memory_space<hbm>> -> memref<10240xf32, #tpu.memory_space<hbm>>
      tpu.wait_dma2 semaphore(%run_scoped3A : memref<!tpu.dma_semaphore, #tpu.memory_space<semaphore_mem>>) src(%arg6 : memref<10240xf32, #tpu.memory_space<vmem>>) dst(%dma_wait3A_16 : memref<10240xf32, #tpu.memory_space<hbm>>)
      tpu.yield
    }) : () -> ()
    return
  }
}

#map = affine_map<(d0, d1) -> (0, 0)>
#map1 = affine_map<(d0, d1) -> (0, 0, 0)>
module attributes {stable_mosaic.version = 14 : i64} {
  func.func @agg(%arg0: i32, %arg1: i32, %arg2: memref<10000x128xf32, #tpu.memory_space<hbm>>, %arg3: memref<32x125x80xi32, #tpu.memory_space<hbm>>, %arg4: memref<32x125x80xi32, #tpu.memory_space<hbm>>, %arg5: memref<10240x128xf32, #tpu.memory_space<hbm>>, %arg6: memref<2x10240x128xf32, #tpu.memory_space<hbm>>, %arg7: memref<125x80xi32, #tpu.memory_space<vmem>>, %arg8: memref<125x80xi32, #tpu.memory_space<vmem>>, %arg9: memref<80x128xf32, #tpu.memory_space<vmem>>, %arg10: memref<80x128xf32, #tpu.memory_space<vmem>>, %arg11: memref<10240x128xf32, #tpu.memory_space<vmem_shared>>, %arg12: memref<!tpu.dma_semaphore, #tpu.memory_space<semaphore_mem>>, %arg13: memref<!tpu.dma_semaphore, #tpu.memory_space<semaphore_mem>>) attributes {dimension_semantics = [#tpu.dimension_semantics<core_parallel>, #tpu.dimension_semantics<subcore_parallel>], iteration_bounds = array<i64: 2, 16>, scalar_prefetch = 0 : i64, scratch_operands = 7 : i64, tpu.core_type = #tpu.core_type<sc_vector_subcore>, window_params = [{transform_indices = #map}, {transform_indices = #map1}, {transform_indices = #map1}, {transform_indices = #map}, {transform_indices = #map1}]} {
    %mul3A = arith.constant 16 : i32
    %mul3A_0 = arith.muli %arg0, %mul3A : i32
    %add3A = arith.addi %mul3A_0, %arg1 : i32
    %mul3A_1 = arith.constant 640 : i32
    %mul3A_2 = arith.muli %arg1, %mul3A_1 : i32
    "tpu.region"() ({
      %run_scoped3A_21 = tpu.sem_alloc : memref<!tpu.dma_semaphore, #tpu.memory_space<semaphore_mem>>
      %dma_start3A_22 = arith.constant 0 : i32
      %dma_start3A_23 = tpu.memref_slice %arg11[%mul3A_2, %dma_start3A_22] : memref<10240x128xf32, #tpu.memory_space<vmem_shared>> -> memref<640x128xf32, #tpu.memory_space<vmem_shared>>
      %dma_start3A_24 = arith.constant 0 : i32
      %dma_start3A_25 = tpu.memref_slice %arg5[%mul3A_2, %dma_start3A_24] : memref<10240x128xf32, #tpu.memory_space<hbm>> -> memref<640x128xf32, #tpu.memory_space<hbm>>
      tpu.enqueue_dma source(%dma_start3A_25 : memref<640x128xf32, #tpu.memory_space<hbm>>) target(%dma_start3A_23 : memref<640x128xf32, #tpu.memory_space<vmem_shared>>) target_semaphore(%run_scoped3A_21 : memref<!tpu.dma_semaphore, #tpu.memory_space<semaphore_mem>>)
      %dma_wait3A_26 = arith.constant 0 : i32
      %dma_wait3A_27 = tpu.memref_slice %arg11[%mul3A_2, %dma_wait3A_26] : memref<10240x128xf32, #tpu.memory_space<vmem_shared>> -> memref<640x128xf32, #tpu.memory_space<vmem_shared>>
      %dma_wait3A_28 = arith.constant 0 : i32
      %dma_wait3A_29 = tpu.memref_slice %arg5[%mul3A_2, %dma_wait3A_28] : memref<10240x128xf32, #tpu.memory_space<hbm>> -> memref<640x128xf32, #tpu.memory_space<hbm>>
      tpu.wait_dma2 semaphore(%run_scoped3A_21 : memref<!tpu.dma_semaphore, #tpu.memory_space<semaphore_mem>>) src(%dma_wait3A_29 : memref<640x128xf32, #tpu.memory_space<hbm>>) dst(%dma_wait3A_27 : memref<640x128xf32, #tpu.memory_space<vmem_shared>>)
      tpu.yield
    }) : () -> ()
    "tpu.region"() ({
      %run_scoped3A_21 = tpu.sem_alloc : memref<!tpu.dma_semaphore, #tpu.memory_space<semaphore_mem>>
      %dma_start3A_22 = arith.constant 0 : i32
      %dma_start3A_23 = arith.constant 0 : i32
      %dma_start3A_24 = tpu.memref_slice %arg3[%add3A, %dma_start3A_22, %dma_start3A_23] : memref<32x125x80xi32, #tpu.memory_space<hbm>> -> memref<1x125x80xi32, #tpu.memory_space<hbm>>
      %dma_start3A_25 = tpu.memref_squeeze %dma_start3A_24 : memref<1x125x80xi32, #tpu.memory_space<hbm>> -> memref<125x80xi32, #tpu.memory_space<hbm>>
      %dma_start3A_26 = arith.constant 0 : i32
      %dma_start3A_27 = arith.constant 0 : i32
      %dma_start3A_28 = tpu.memref_slice %arg3[%add3A, %dma_start3A_26, %dma_start3A_27] : memref<32x125x80xi32, #tpu.memory_space<hbm>> -> memref<1x125x80xi32, #tpu.memory_space<hbm>>
      %dma_start3A_29 = tpu.memref_squeeze %dma_start3A_28 : memref<1x125x80xi32, #tpu.memory_space<hbm>> -> memref<125x80xi32, #tpu.memory_space<hbm>>
      tpu.enqueue_dma source(%dma_start3A_29 : memref<125x80xi32, #tpu.memory_space<hbm>>) target(%arg7 : memref<125x80xi32, #tpu.memory_space<vmem>>) target_semaphore(%run_scoped3A_21 : memref<!tpu.dma_semaphore, #tpu.memory_space<semaphore_mem>>)
      %dma_wait3A_30 = arith.constant 0 : i32
      %dma_wait3A_31 = arith.constant 0 : i32
      %dma_wait3A_32 = tpu.memref_slice %arg3[%add3A, %dma_wait3A_30, %dma_wait3A_31] : memref<32x125x80xi32, #tpu.memory_space<hbm>> -> memref<1x125x80xi32, #tpu.memory_space<hbm>>
      %dma_wait3A_33 = tpu.memref_squeeze %dma_wait3A_32 : memref<1x125x80xi32, #tpu.memory_space<hbm>> -> memref<125x80xi32, #tpu.memory_space<hbm>>
      %dma_wait3A_34 = arith.constant 0 : i32
      %dma_wait3A_35 = arith.constant 0 : i32
      %dma_wait3A_36 = tpu.memref_slice %arg3[%add3A, %dma_wait3A_34, %dma_wait3A_35] : memref<32x125x80xi32, #tpu.memory_space<hbm>> -> memref<1x125x80xi32, #tpu.memory_space<hbm>>
      %dma_wait3A_37 = tpu.memref_squeeze %dma_wait3A_36 : memref<1x125x80xi32, #tpu.memory_space<hbm>> -> memref<125x80xi32, #tpu.memory_space<hbm>>
      tpu.wait_dma2 semaphore(%run_scoped3A_21 : memref<!tpu.dma_semaphore, #tpu.memory_space<semaphore_mem>>) src(%dma_wait3A_37 : memref<125x80xi32, #tpu.memory_space<hbm>>) dst(%arg7 : memref<125x80xi32, #tpu.memory_space<vmem>>)
      tpu.yield
    }) : () -> ()
    "tpu.region"() ({
      %run_scoped3A_21 = tpu.sem_alloc : memref<!tpu.dma_semaphore, #tpu.memory_space<semaphore_mem>>
      %dma_start3A_22 = arith.constant 0 : i32
      %dma_start3A_23 = arith.constant 0 : i32
      %dma_start3A_24 = tpu.memref_slice %arg4[%add3A, %dma_start3A_22, %dma_start3A_23] : memref<32x125x80xi32, #tpu.memory_space<hbm>> -> memref<1x125x80xi32, #tpu.memory_space<hbm>>
      %dma_start3A_25 = tpu.memref_squeeze %dma_start3A_24 : memref<1x125x80xi32, #tpu.memory_space<hbm>> -> memref<125x80xi32, #tpu.memory_space<hbm>>
      %dma_start3A_26 = arith.constant 0 : i32
      %dma_start3A_27 = arith.constant 0 : i32
      %dma_start3A_28 = tpu.memref_slice %arg4[%add3A, %dma_start3A_26, %dma_start3A_27] : memref<32x125x80xi32, #tpu.memory_space<hbm>> -> memref<1x125x80xi32, #tpu.memory_space<hbm>>
      %dma_start3A_29 = tpu.memref_squeeze %dma_start3A_28 : memref<1x125x80xi32, #tpu.memory_space<hbm>> -> memref<125x80xi32, #tpu.memory_space<hbm>>
      tpu.enqueue_dma source(%dma_start3A_29 : memref<125x80xi32, #tpu.memory_space<hbm>>) target(%arg8 : memref<125x80xi32, #tpu.memory_space<vmem>>) target_semaphore(%run_scoped3A_21 : memref<!tpu.dma_semaphore, #tpu.memory_space<semaphore_mem>>)
      %dma_wait3A_30 = arith.constant 0 : i32
      %dma_wait3A_31 = arith.constant 0 : i32
      %dma_wait3A_32 = tpu.memref_slice %arg4[%add3A, %dma_wait3A_30, %dma_wait3A_31] : memref<32x125x80xi32, #tpu.memory_space<hbm>> -> memref<1x125x80xi32, #tpu.memory_space<hbm>>
      %dma_wait3A_33 = tpu.memref_squeeze %dma_wait3A_32 : memref<1x125x80xi32, #tpu.memory_space<hbm>> -> memref<125x80xi32, #tpu.memory_space<hbm>>
      %dma_wait3A_34 = arith.constant 0 : i32
      %dma_wait3A_35 = arith.constant 0 : i32
      %dma_wait3A_36 = tpu.memref_slice %arg4[%add3A, %dma_wait3A_34, %dma_wait3A_35] : memref<32x125x80xi32, #tpu.memory_space<hbm>> -> memref<1x125x80xi32, #tpu.memory_space<hbm>>
      %dma_wait3A_37 = tpu.memref_squeeze %dma_wait3A_36 : memref<1x125x80xi32, #tpu.memory_space<hbm>> -> memref<125x80xi32, #tpu.memory_space<hbm>>
      tpu.wait_dma2 semaphore(%run_scoped3A_21 : memref<!tpu.dma_semaphore, #tpu.memory_space<semaphore_mem>>) src(%dma_wait3A_37 : memref<125x80xi32, #tpu.memory_space<hbm>>) dst(%arg8 : memref<125x80xi32, #tpu.memory_space<vmem>>)
      tpu.yield
    }) : () -> ()
    %barrier3A = arith.constant 0 : index
    tpu.barrier barrier_id(%barrier3A)
    %dma_start3A = arith.constant 0 : i32
    %dma_start3A_3 = arith.constant 0 : i32
    %dma_start3A_4 = tpu.memref_slice %arg7[%dma_start3A, %dma_start3A_3] : memref<125x80xi32, #tpu.memory_space<vmem>> -> memref<1x80xi32, #tpu.memory_space<vmem>>
    %dma_start3A_5 = tpu.memref_squeeze %dma_start3A_4 : memref<1x80xi32, #tpu.memory_space<vmem>> -> memref<80xi32, #tpu.memory_space<vmem>>
    %dma_start3A_6 = arith.constant 0 : i32
    %dma_start3A_7 = arith.constant 0 : i32
    %dma_start3A_8 = tpu.memref_slice %arg2[%dma_start3A_6, %dma_start3A_7] : memref<10000x128xf32, #tpu.memory_space<hbm>> -> memref<10000x128xf32, #tpu.memory_space<hbm>>
    tpu.enqueue_indirect_dma source(%dma_start3A_8 : memref<10000x128xf32, #tpu.memory_space<hbm>>) target(%arg9 : memref<80x128xf32, #tpu.memory_space<vmem>>) offsets(%dma_start3A_5 : memref<80xi32, #tpu.memory_space<vmem>>) semaphore(%arg12 : memref<!tpu.dma_semaphore, #tpu.memory_space<semaphore_mem>>)
    %scan3A = arith.constant 0 : i32
    %scan3A_9 = arith.constant 0 : i32
    %scan3A_10 = arith.constant 62 : i32
    %scan3A_11 = arith.addi %scan3A_9, %scan3A_10 : i32
    %scan3A_12 = arith.constant 1 : i32
    scf.for %scan3A_21 = %scan3A_9 to %scan3A_11 step %scan3A_12  : i32 {
      %mul3A_22 = arith.constant 2 : i32
      %mul3A_23 = arith.muli %mul3A_22, %scan3A_21 : i32
      %add3A_24 = arith.constant 1 : i32
      %add3A_25 = arith.addi %mul3A_23, %add3A_24 : i32
      %dma_start3A_26 = arith.constant 0 : i32
      %dma_start3A_27 = tpu.memref_slice %arg7[%add3A_25, %dma_start3A_26] : memref<125x80xi32, #tpu.memory_space<vmem>> -> memref<1x80xi32, #tpu.memory_space<vmem>>
      %dma_start3A_28 = tpu.memref_squeeze %dma_start3A_27 : memref<1x80xi32, #tpu.memory_space<vmem>> -> memref<80xi32, #tpu.memory_space<vmem>>
      %dma_start3A_29 = arith.constant 0 : i32
      %dma_start3A_30 = arith.constant 0 : i32
      %dma_start3A_31 = tpu.memref_slice %arg2[%dma_start3A_29, %dma_start3A_30] : memref<10000x128xf32, #tpu.memory_space<hbm>> -> memref<10000x128xf32, #tpu.memory_space<hbm>>
      tpu.enqueue_indirect_dma source(%dma_start3A_31 : memref<10000x128xf32, #tpu.memory_space<hbm>>) target(%arg10 : memref<80x128xf32, #tpu.memory_space<vmem>>) offsets(%dma_start3A_28 : memref<80xi32, #tpu.memory_space<vmem>>) semaphore(%arg13 : memref<!tpu.dma_semaphore, #tpu.memory_space<semaphore_mem>>)
      %sub3A = arith.constant 1 : i32
      %sub3A_32 = arith.subi %add3A_25, %sub3A : i32
      %dma_wait3A_33 = arith.constant 0 : i32
      %dma_wait3A_34 = tpu.memref_slice %arg7[%sub3A_32, %dma_wait3A_33] : memref<125x80xi32, #tpu.memory_space<vmem>> -> memref<1x80xi32, #tpu.memory_space<vmem>>
      %dma_wait3A_35 = tpu.memref_squeeze %dma_wait3A_34 : memref<1x80xi32, #tpu.memory_space<vmem>> -> memref<80xi32, #tpu.memory_space<vmem>>
      %dma_wait3A_36 = arith.constant 0 : i32
      %dma_wait3A_37 = arith.constant 0 : i32
      %dma_wait3A_38 = tpu.memref_slice %arg2[%dma_wait3A_36, %dma_wait3A_37] : memref<10000x128xf32, #tpu.memory_space<hbm>> -> memref<10000x128xf32, #tpu.memory_space<hbm>>
      tpu.wait_indirect_dma semaphore(%arg12 : memref<!tpu.dma_semaphore, #tpu.memory_space<semaphore_mem>>) src(%dma_wait3A_38 : memref<10000x128xf32, #tpu.memory_space<hbm>>) dst(%arg9 : memref<80x128xf32, #tpu.memory_space<vmem>>)
      %sub3A_39 = arith.constant 1 : i32
      %sub3A_40 = arith.subi %add3A_25, %sub3A_39 : i32
      "tpu.region"() ({
        %run_scoped3A_55 = tpu.sem_alloc : memref<!tpu.dma_semaphore, #tpu.memory_space<semaphore_mem>>
        %dma_start3A_56 = arith.constant 0 : i32
        %dma_start3A_57 = tpu.memref_slice %arg8[%sub3A_40, %dma_start3A_56] : memref<125x80xi32, #tpu.memory_space<vmem>> -> memref<1x80xi32, #tpu.memory_space<vmem>>
        %dma_start3A_58 = tpu.memref_squeeze %dma_start3A_57 : memref<1x80xi32, #tpu.memory_space<vmem>> -> memref<80xi32, #tpu.memory_space<vmem>>
        %dma_start3A_59 = arith.constant 0 : i32
        %dma_start3A_60 = arith.constant 0 : i32
        %dma_start3A_61 = tpu.memref_slice %arg11[%dma_start3A_59, %dma_start3A_60] : memref<10240x128xf32, #tpu.memory_space<vmem_shared>> -> memref<10240x128xf32, #tpu.memory_space<vmem_shared>>
        tpu.enqueue_indirect_dma source(%arg9 : memref<80x128xf32, #tpu.memory_space<vmem>>) target(%dma_start3A_61 : memref<10240x128xf32, #tpu.memory_space<vmem_shared>>) offsets(%dma_start3A_58 : memref<80xi32, #tpu.memory_space<vmem>>) semaphore(%run_scoped3A_55 : memref<!tpu.dma_semaphore, #tpu.memory_space<semaphore_mem>>) {add = true}
        %dma_wait3A_62 = arith.constant 0 : i32
        %dma_wait3A_63 = tpu.memref_slice %arg8[%sub3A_40, %dma_wait3A_62] : memref<125x80xi32, #tpu.memory_space<vmem>> -> memref<1x80xi32, #tpu.memory_space<vmem>>
        %dma_wait3A_64 = tpu.memref_squeeze %dma_wait3A_63 : memref<1x80xi32, #tpu.memory_space<vmem>> -> memref<80xi32, #tpu.memory_space<vmem>>
        %dma_wait3A_65 = arith.constant 0 : i32
        %dma_wait3A_66 = arith.constant 0 : i32
        %dma_wait3A_67 = tpu.memref_slice %arg11[%dma_wait3A_65, %dma_wait3A_66] : memref<10240x128xf32, #tpu.memory_space<vmem_shared>> -> memref<10240x128xf32, #tpu.memory_space<vmem_shared>>
        tpu.wait_indirect_dma semaphore(%run_scoped3A_55 : memref<!tpu.dma_semaphore, #tpu.memory_space<semaphore_mem>>) src(%arg9 : memref<80x128xf32, #tpu.memory_space<vmem>>) dst(%dma_wait3A_67 : memref<10240x128xf32, #tpu.memory_space<vmem_shared>>)
        tpu.yield
      }) : () -> ()
      %add3A_41 = arith.constant 1 : i32
      %add3A_42 = arith.addi %add3A_25, %add3A_41 : i32
      %dma_start3A_43 = arith.constant 0 : i32
      %dma_start3A_44 = tpu.memref_slice %arg7[%add3A_42, %dma_start3A_43] : memref<125x80xi32, #tpu.memory_space<vmem>> -> memref<1x80xi32, #tpu.memory_space<vmem>>
      %dma_start3A_45 = tpu.memref_squeeze %dma_start3A_44 : memref<1x80xi32, #tpu.memory_space<vmem>> -> memref<80xi32, #tpu.memory_space<vmem>>
      %dma_start3A_46 = arith.constant 0 : i32
      %dma_start3A_47 = arith.constant 0 : i32
      %dma_start3A_48 = tpu.memref_slice %arg2[%dma_start3A_46, %dma_start3A_47] : memref<10000x128xf32, #tpu.memory_space<hbm>> -> memref<10000x128xf32, #tpu.memory_space<hbm>>
      tpu.enqueue_indirect_dma source(%dma_start3A_48 : memref<10000x128xf32, #tpu.memory_space<hbm>>) target(%arg9 : memref<80x128xf32, #tpu.memory_space<vmem>>) offsets(%dma_start3A_45 : memref<80xi32, #tpu.memory_space<vmem>>) semaphore(%arg12 : memref<!tpu.dma_semaphore, #tpu.memory_space<semaphore_mem>>)
      %dma_wait3A_49 = arith.constant 0 : i32
      %dma_wait3A_50 = tpu.memref_slice %arg7[%add3A_25, %dma_wait3A_49] : memref<125x80xi32, #tpu.memory_space<vmem>> -> memref<1x80xi32, #tpu.memory_space<vmem>>
      %dma_wait3A_51 = tpu.memref_squeeze %dma_wait3A_50 : memref<1x80xi32, #tpu.memory_space<vmem>> -> memref<80xi32, #tpu.memory_space<vmem>>
      %dma_wait3A_52 = arith.constant 0 : i32
      %dma_wait3A_53 = arith.constant 0 : i32
      %dma_wait3A_54 = tpu.memref_slice %arg2[%dma_wait3A_52, %dma_wait3A_53] : memref<10000x128xf32, #tpu.memory_space<hbm>> -> memref<10000x128xf32, #tpu.memory_space<hbm>>
      tpu.wait_indirect_dma semaphore(%arg13 : memref<!tpu.dma_semaphore, #tpu.memory_space<semaphore_mem>>) src(%dma_wait3A_54 : memref<10000x128xf32, #tpu.memory_space<hbm>>) dst(%arg10 : memref<80x128xf32, #tpu.memory_space<vmem>>)
      "tpu.region"() ({
        %run_scoped3A_55 = tpu.sem_alloc : memref<!tpu.dma_semaphore, #tpu.memory_space<semaphore_mem>>
        %dma_start3A_56 = arith.constant 0 : i32
        %dma_start3A_57 = tpu.memref_slice %arg8[%add3A_25, %dma_start3A_56] : memref<125x80xi32, #tpu.memory_space<vmem>> -> memref<1x80xi32, #tpu.memory_space<vmem>>
        %dma_start3A_58 = tpu.memref_squeeze %dma_start3A_57 : memref<1x80xi32, #tpu.memory_space<vmem>> -> memref<80xi32, #tpu.memory_space<vmem>>
        %dma_start3A_59 = arith.constant 0 : i32
        %dma_start3A_60 = arith.constant 0 : i32
        %dma_start3A_61 = tpu.memref_slice %arg11[%dma_start3A_59, %dma_start3A_60] : memref<10240x128xf32, #tpu.memory_space<vmem_shared>> -> memref<10240x128xf32, #tpu.memory_space<vmem_shared>>
        tpu.enqueue_indirect_dma source(%arg10 : memref<80x128xf32, #tpu.memory_space<vmem>>) target(%dma_start3A_61 : memref<10240x128xf32, #tpu.memory_space<vmem_shared>>) offsets(%dma_start3A_58 : memref<80xi32, #tpu.memory_space<vmem>>) semaphore(%run_scoped3A_55 : memref<!tpu.dma_semaphore, #tpu.memory_space<semaphore_mem>>) {add = true}
        %dma_wait3A_62 = arith.constant 0 : i32
        %dma_wait3A_63 = tpu.memref_slice %arg8[%add3A_25, %dma_wait3A_62] : memref<125x80xi32, #tpu.memory_space<vmem>> -> memref<1x80xi32, #tpu.memory_space<vmem>>
        %dma_wait3A_64 = tpu.memref_squeeze %dma_wait3A_63 : memref<1x80xi32, #tpu.memory_space<vmem>> -> memref<80xi32, #tpu.memory_space<vmem>>
        %dma_wait3A_65 = arith.constant 0 : i32
        %dma_wait3A_66 = arith.constant 0 : i32
        %dma_wait3A_67 = tpu.memref_slice %arg11[%dma_wait3A_65, %dma_wait3A_66] : memref<10240x128xf32, #tpu.memory_space<vmem_shared>> -> memref<10240x128xf32, #tpu.memory_space<vmem_shared>>
        tpu.wait_indirect_dma semaphore(%run_scoped3A_55 : memref<!tpu.dma_semaphore, #tpu.memory_space<semaphore_mem>>) src(%arg10 : memref<80x128xf32, #tpu.memory_space<vmem>>) dst(%dma_wait3A_67 : memref<10240x128xf32, #tpu.memory_space<vmem_shared>>)
        tpu.yield
      }) : () -> ()
    }
    %scan3A_13 = arith.constant 62 : i32
    %dma_wait3A = arith.constant 124 : i32
    %dma_wait3A_14 = arith.constant 0 : i32
    %dma_wait3A_15 = tpu.memref_slice %arg7[%dma_wait3A, %dma_wait3A_14] : memref<125x80xi32, #tpu.memory_space<vmem>> -> memref<1x80xi32, #tpu.memory_space<vmem>>
    %dma_wait3A_16 = tpu.memref_squeeze %dma_wait3A_15 : memref<1x80xi32, #tpu.memory_space<vmem>> -> memref<80xi32, #tpu.memory_space<vmem>>
    %dma_wait3A_17 = arith.constant 0 : i32
    %dma_wait3A_18 = arith.constant 0 : i32
    %dma_wait3A_19 = tpu.memref_slice %arg2[%dma_wait3A_17, %dma_wait3A_18] : memref<10000x128xf32, #tpu.memory_space<hbm>> -> memref<10000x128xf32, #tpu.memory_space<hbm>>
    tpu.wait_indirect_dma semaphore(%arg12 : memref<!tpu.dma_semaphore, #tpu.memory_space<semaphore_mem>>) src(%dma_wait3A_19 : memref<10000x128xf32, #tpu.memory_space<hbm>>) dst(%arg9 : memref<80x128xf32, #tpu.memory_space<vmem>>)
    %run_scoped3A = arith.constant 124 : i32
    "tpu.region"() ({
      %run_scoped3A_21 = tpu.sem_alloc : memref<!tpu.dma_semaphore, #tpu.memory_space<semaphore_mem>>
      %dma_start3A_22 = arith.constant 0 : i32
      %dma_start3A_23 = tpu.memref_slice %arg8[%run_scoped3A, %dma_start3A_22] : memref<125x80xi32, #tpu.memory_space<vmem>> -> memref<1x80xi32, #tpu.memory_space<vmem>>
      %dma_start3A_24 = tpu.memref_squeeze %dma_start3A_23 : memref<1x80xi32, #tpu.memory_space<vmem>> -> memref<80xi32, #tpu.memory_space<vmem>>
      %dma_start3A_25 = arith.constant 0 : i32
      %dma_start3A_26 = arith.constant 0 : i32
      %dma_start3A_27 = tpu.memref_slice %arg11[%dma_start3A_25, %dma_start3A_26] : memref<10240x128xf32, #tpu.memory_space<vmem_shared>> -> memref<10240x128xf32, #tpu.memory_space<vmem_shared>>
      tpu.enqueue_indirect_dma source(%arg9 : memref<80x128xf32, #tpu.memory_space<vmem>>) target(%dma_start3A_27 : memref<10240x128xf32, #tpu.memory_space<vmem_shared>>) offsets(%dma_start3A_24 : memref<80xi32, #tpu.memory_space<vmem>>) semaphore(%run_scoped3A_21 : memref<!tpu.dma_semaphore, #tpu.memory_space<semaphore_mem>>) {add = true}
      %dma_wait3A_28 = arith.constant 0 : i32
      %dma_wait3A_29 = tpu.memref_slice %arg8[%run_scoped3A, %dma_wait3A_28] : memref<125x80xi32, #tpu.memory_space<vmem>> -> memref<1x80xi32, #tpu.memory_space<vmem>>
      %dma_wait3A_30 = tpu.memref_squeeze %dma_wait3A_29 : memref<1x80xi32, #tpu.memory_space<vmem>> -> memref<80xi32, #tpu.memory_space<vmem>>
      %dma_wait3A_31 = arith.constant 0 : i32
      %dma_wait3A_32 = arith.constant 0 : i32
      %dma_wait3A_33 = tpu.memref_slice %arg11[%dma_wait3A_31, %dma_wait3A_32] : memref<10240x128xf32, #tpu.memory_space<vmem_shared>> -> memref<10240x128xf32, #tpu.memory_space<vmem_shared>>
      tpu.wait_indirect_dma semaphore(%run_scoped3A_21 : memref<!tpu.dma_semaphore, #tpu.memory_space<semaphore_mem>>) src(%arg9 : memref<80x128xf32, #tpu.memory_space<vmem>>) dst(%dma_wait3A_33 : memref<10240x128xf32, #tpu.memory_space<vmem_shared>>)
      tpu.yield
    }) : () -> ()
    %barrier3A_20 = arith.constant 0 : index
    tpu.barrier barrier_id(%barrier3A_20)
    "tpu.region"() ({
      %run_scoped3A_21 = tpu.sem_alloc : memref<!tpu.dma_semaphore, #tpu.memory_space<semaphore_mem>>
      %dma_start3A_22 = arith.constant 0 : i32
      %dma_start3A_23 = tpu.memref_slice %arg6[%arg0, %mul3A_2, %dma_start3A_22] : memref<2x10240x128xf32, #tpu.memory_space<hbm>> -> memref<1x640x128xf32, #tpu.memory_space<hbm>>
      %dma_start3A_24 = tpu.memref_squeeze %dma_start3A_23 : memref<1x640x128xf32, #tpu.memory_space<hbm>> -> memref<640x128xf32, #tpu.memory_space<hbm>>
      %dma_start3A_25 = arith.constant 0 : i32
      %dma_start3A_26 = tpu.memref_slice %arg11[%mul3A_2, %dma_start3A_25] : memref<10240x128xf32, #tpu.memory_space<vmem_shared>> -> memref<640x128xf32, #tpu.memory_space<vmem_shared>>
      tpu.enqueue_dma source(%dma_start3A_26 : memref<640x128xf32, #tpu.memory_space<vmem_shared>>) target(%dma_start3A_24 : memref<640x128xf32, #tpu.memory_space<hbm>>) target_semaphore(%run_scoped3A_21 : memref<!tpu.dma_semaphore, #tpu.memory_space<semaphore_mem>>)
      %dma_wait3A_27 = arith.constant 0 : i32
      %dma_wait3A_28 = tpu.memref_slice %arg6[%arg0, %mul3A_2, %dma_wait3A_27] : memref<2x10240x128xf32, #tpu.memory_space<hbm>> -> memref<1x640x128xf32, #tpu.memory_space<hbm>>
      %dma_wait3A_29 = tpu.memref_squeeze %dma_wait3A_28 : memref<1x640x128xf32, #tpu.memory_space<hbm>> -> memref<640x128xf32, #tpu.memory_space<hbm>>
      %dma_wait3A_30 = arith.constant 0 : i32
      %dma_wait3A_31 = tpu.memref_slice %arg11[%mul3A_2, %dma_wait3A_30] : memref<10240x128xf32, #tpu.memory_space<vmem_shared>> -> memref<640x128xf32, #tpu.memory_space<vmem_shared>>
      tpu.wait_dma2 semaphore(%run_scoped3A_21 : memref<!tpu.dma_semaphore, #tpu.memory_space<semaphore_mem>>) src(%dma_wait3A_31 : memref<640x128xf32, #tpu.memory_space<vmem_shared>>) dst(%dma_wait3A_29 : memref<640x128xf32, #tpu.memory_space<hbm>>)
      tpu.yield
    }) : () -> ()
    return
  }
}

#map = affine_map<(d0, d1) -> (0, 0)>
#map1 = affine_map<(d0, d1) -> (0, 0, 0)>
module attributes {stable_mosaic.version = 14 : i64} {
  func.func @agg(%arg0: i32, %arg1: i32, %arg2: memref<10240x128xf32, #tpu.memory_space<hbm>>, %arg3: memref<32x125x80xi32, #tpu.memory_space<hbm>>, %arg4: memref<32x125x80xi32, #tpu.memory_space<hbm>>, %arg5: memref<10240x128xf32, #tpu.memory_space<hbm>>, %arg6: memref<2x10240x128xf32, #tpu.memory_space<hbm>>, %arg7: memref<125x80xi32, #tpu.memory_space<vmem>>, %arg8: memref<125x80xi32, #tpu.memory_space<vmem>>, %arg9: memref<80x128xf32, #tpu.memory_space<vmem>>, %arg10: memref<80x128xf32, #tpu.memory_space<vmem>>, %arg11: memref<10240x128xf32, #tpu.memory_space<vmem_shared>>, %arg12: memref<!tpu.dma_semaphore, #tpu.memory_space<semaphore_mem>>, %arg13: memref<!tpu.dma_semaphore, #tpu.memory_space<semaphore_mem>>) attributes {dimension_semantics = [#tpu.dimension_semantics<core_parallel>, #tpu.dimension_semantics<subcore_parallel>], iteration_bounds = array<i64: 2, 16>, scalar_prefetch = 0 : i64, scratch_operands = 7 : i64, tpu.core_type = #tpu.core_type<sc_vector_subcore>, window_params = [{transform_indices = #map}, {transform_indices = #map1}, {transform_indices = #map1}, {transform_indices = #map}, {transform_indices = #map1}]} {
    %mul3A = arith.constant 16 : i32
    %mul3A_0 = arith.muli %arg0, %mul3A : i32
    %add3A = arith.addi %mul3A_0, %arg1 : i32
    %mul3A_1 = arith.constant 640 : i32
    %mul3A_2 = arith.muli %arg1, %mul3A_1 : i32
    "tpu.region"() ({
      %run_scoped3A_21 = tpu.sem_alloc : memref<!tpu.dma_semaphore, #tpu.memory_space<semaphore_mem>>
      %dma_start3A_22 = arith.constant 0 : i32
      %dma_start3A_23 = tpu.memref_slice %arg11[%mul3A_2, %dma_start3A_22] : memref<10240x128xf32, #tpu.memory_space<vmem_shared>> -> memref<640x128xf32, #tpu.memory_space<vmem_shared>>
      %dma_start3A_24 = arith.constant 0 : i32
      %dma_start3A_25 = tpu.memref_slice %arg5[%mul3A_2, %dma_start3A_24] : memref<10240x128xf32, #tpu.memory_space<hbm>> -> memref<640x128xf32, #tpu.memory_space<hbm>>
      tpu.enqueue_dma source(%dma_start3A_25 : memref<640x128xf32, #tpu.memory_space<hbm>>) target(%dma_start3A_23 : memref<640x128xf32, #tpu.memory_space<vmem_shared>>) target_semaphore(%run_scoped3A_21 : memref<!tpu.dma_semaphore, #tpu.memory_space<semaphore_mem>>)
      %dma_wait3A_26 = arith.constant 0 : i32
      %dma_wait3A_27 = tpu.memref_slice %arg11[%mul3A_2, %dma_wait3A_26] : memref<10240x128xf32, #tpu.memory_space<vmem_shared>> -> memref<640x128xf32, #tpu.memory_space<vmem_shared>>
      %dma_wait3A_28 = arith.constant 0 : i32
      %dma_wait3A_29 = tpu.memref_slice %arg5[%mul3A_2, %dma_wait3A_28] : memref<10240x128xf32, #tpu.memory_space<hbm>> -> memref<640x128xf32, #tpu.memory_space<hbm>>
      tpu.wait_dma2 semaphore(%run_scoped3A_21 : memref<!tpu.dma_semaphore, #tpu.memory_space<semaphore_mem>>) src(%dma_wait3A_29 : memref<640x128xf32, #tpu.memory_space<hbm>>) dst(%dma_wait3A_27 : memref<640x128xf32, #tpu.memory_space<vmem_shared>>)
      tpu.yield
    }) : () -> ()
    "tpu.region"() ({
      %run_scoped3A_21 = tpu.sem_alloc : memref<!tpu.dma_semaphore, #tpu.memory_space<semaphore_mem>>
      %dma_start3A_22 = arith.constant 0 : i32
      %dma_start3A_23 = arith.constant 0 : i32
      %dma_start3A_24 = tpu.memref_slice %arg3[%add3A, %dma_start3A_22, %dma_start3A_23] : memref<32x125x80xi32, #tpu.memory_space<hbm>> -> memref<1x125x80xi32, #tpu.memory_space<hbm>>
      %dma_start3A_25 = tpu.memref_squeeze %dma_start3A_24 : memref<1x125x80xi32, #tpu.memory_space<hbm>> -> memref<125x80xi32, #tpu.memory_space<hbm>>
      %dma_start3A_26 = arith.constant 0 : i32
      %dma_start3A_27 = arith.constant 0 : i32
      %dma_start3A_28 = tpu.memref_slice %arg3[%add3A, %dma_start3A_26, %dma_start3A_27] : memref<32x125x80xi32, #tpu.memory_space<hbm>> -> memref<1x125x80xi32, #tpu.memory_space<hbm>>
      %dma_start3A_29 = tpu.memref_squeeze %dma_start3A_28 : memref<1x125x80xi32, #tpu.memory_space<hbm>> -> memref<125x80xi32, #tpu.memory_space<hbm>>
      tpu.enqueue_dma source(%dma_start3A_29 : memref<125x80xi32, #tpu.memory_space<hbm>>) target(%arg7 : memref<125x80xi32, #tpu.memory_space<vmem>>) target_semaphore(%run_scoped3A_21 : memref<!tpu.dma_semaphore, #tpu.memory_space<semaphore_mem>>)
      %dma_wait3A_30 = arith.constant 0 : i32
      %dma_wait3A_31 = arith.constant 0 : i32
      %dma_wait3A_32 = tpu.memref_slice %arg3[%add3A, %dma_wait3A_30, %dma_wait3A_31] : memref<32x125x80xi32, #tpu.memory_space<hbm>> -> memref<1x125x80xi32, #tpu.memory_space<hbm>>
      %dma_wait3A_33 = tpu.memref_squeeze %dma_wait3A_32 : memref<1x125x80xi32, #tpu.memory_space<hbm>> -> memref<125x80xi32, #tpu.memory_space<hbm>>
      %dma_wait3A_34 = arith.constant 0 : i32
      %dma_wait3A_35 = arith.constant 0 : i32
      %dma_wait3A_36 = tpu.memref_slice %arg3[%add3A, %dma_wait3A_34, %dma_wait3A_35] : memref<32x125x80xi32, #tpu.memory_space<hbm>> -> memref<1x125x80xi32, #tpu.memory_space<hbm>>
      %dma_wait3A_37 = tpu.memref_squeeze %dma_wait3A_36 : memref<1x125x80xi32, #tpu.memory_space<hbm>> -> memref<125x80xi32, #tpu.memory_space<hbm>>
      tpu.wait_dma2 semaphore(%run_scoped3A_21 : memref<!tpu.dma_semaphore, #tpu.memory_space<semaphore_mem>>) src(%dma_wait3A_37 : memref<125x80xi32, #tpu.memory_space<hbm>>) dst(%arg7 : memref<125x80xi32, #tpu.memory_space<vmem>>)
      tpu.yield
    }) : () -> ()
    "tpu.region"() ({
      %run_scoped3A_21 = tpu.sem_alloc : memref<!tpu.dma_semaphore, #tpu.memory_space<semaphore_mem>>
      %dma_start3A_22 = arith.constant 0 : i32
      %dma_start3A_23 = arith.constant 0 : i32
      %dma_start3A_24 = tpu.memref_slice %arg4[%add3A, %dma_start3A_22, %dma_start3A_23] : memref<32x125x80xi32, #tpu.memory_space<hbm>> -> memref<1x125x80xi32, #tpu.memory_space<hbm>>
      %dma_start3A_25 = tpu.memref_squeeze %dma_start3A_24 : memref<1x125x80xi32, #tpu.memory_space<hbm>> -> memref<125x80xi32, #tpu.memory_space<hbm>>
      %dma_start3A_26 = arith.constant 0 : i32
      %dma_start3A_27 = arith.constant 0 : i32
      %dma_start3A_28 = tpu.memref_slice %arg4[%add3A, %dma_start3A_26, %dma_start3A_27] : memref<32x125x80xi32, #tpu.memory_space<hbm>> -> memref<1x125x80xi32, #tpu.memory_space<hbm>>
      %dma_start3A_29 = tpu.memref_squeeze %dma_start3A_28 : memref<1x125x80xi32, #tpu.memory_space<hbm>> -> memref<125x80xi32, #tpu.memory_space<hbm>>
      tpu.enqueue_dma source(%dma_start3A_29 : memref<125x80xi32, #tpu.memory_space<hbm>>) target(%arg8 : memref<125x80xi32, #tpu.memory_space<vmem>>) target_semaphore(%run_scoped3A_21 : memref<!tpu.dma_semaphore, #tpu.memory_space<semaphore_mem>>)
      %dma_wait3A_30 = arith.constant 0 : i32
      %dma_wait3A_31 = arith.constant 0 : i32
      %dma_wait3A_32 = tpu.memref_slice %arg4[%add3A, %dma_wait3A_30, %dma_wait3A_31] : memref<32x125x80xi32, #tpu.memory_space<hbm>> -> memref<1x125x80xi32, #tpu.memory_space<hbm>>
      %dma_wait3A_33 = tpu.memref_squeeze %dma_wait3A_32 : memref<1x125x80xi32, #tpu.memory_space<hbm>> -> memref<125x80xi32, #tpu.memory_space<hbm>>
      %dma_wait3A_34 = arith.constant 0 : i32
      %dma_wait3A_35 = arith.constant 0 : i32
      %dma_wait3A_36 = tpu.memref_slice %arg4[%add3A, %dma_wait3A_34, %dma_wait3A_35] : memref<32x125x80xi32, #tpu.memory_space<hbm>> -> memref<1x125x80xi32, #tpu.memory_space<hbm>>
      %dma_wait3A_37 = tpu.memref_squeeze %dma_wait3A_36 : memref<1x125x80xi32, #tpu.memory_space<hbm>> -> memref<125x80xi32, #tpu.memory_space<hbm>>
      tpu.wait_dma2 semaphore(%run_scoped3A_21 : memref<!tpu.dma_semaphore, #tpu.memory_space<semaphore_mem>>) src(%dma_wait3A_37 : memref<125x80xi32, #tpu.memory_space<hbm>>) dst(%arg8 : memref<125x80xi32, #tpu.memory_space<vmem>>)
      tpu.yield
    }) : () -> ()
    %barrier3A = arith.constant 0 : index
    tpu.barrier barrier_id(%barrier3A)
    %dma_start3A = arith.constant 0 : i32
    %dma_start3A_3 = arith.constant 0 : i32
    %dma_start3A_4 = tpu.memref_slice %arg7[%dma_start3A, %dma_start3A_3] : memref<125x80xi32, #tpu.memory_space<vmem>> -> memref<1x80xi32, #tpu.memory_space<vmem>>
    %dma_start3A_5 = tpu.memref_squeeze %dma_start3A_4 : memref<1x80xi32, #tpu.memory_space<vmem>> -> memref<80xi32, #tpu.memory_space<vmem>>
    %dma_start3A_6 = arith.constant 0 : i32
    %dma_start3A_7 = arith.constant 0 : i32
    %dma_start3A_8 = tpu.memref_slice %arg2[%dma_start3A_6, %dma_start3A_7] : memref<10240x128xf32, #tpu.memory_space<hbm>> -> memref<10240x128xf32, #tpu.memory_space<hbm>>
    tpu.enqueue_indirect_dma source(%dma_start3A_8 : memref<10240x128xf32, #tpu.memory_space<hbm>>) target(%arg9 : memref<80x128xf32, #tpu.memory_space<vmem>>) offsets(%dma_start3A_5 : memref<80xi32, #tpu.memory_space<vmem>>) semaphore(%arg12 : memref<!tpu.dma_semaphore, #tpu.memory_space<semaphore_mem>>)
    %scan3A = arith.constant 0 : i32
    %scan3A_9 = arith.constant 0 : i32
    %scan3A_10 = arith.constant 62 : i32
    %scan3A_11 = arith.addi %scan3A_9, %scan3A_10 : i32
    %scan3A_12 = arith.constant 1 : i32
    scf.for %scan3A_21 = %scan3A_9 to %scan3A_11 step %scan3A_12  : i32 {
      %mul3A_22 = arith.constant 2 : i32
      %mul3A_23 = arith.muli %mul3A_22, %scan3A_21 : i32
      %add3A_24 = arith.constant 1 : i32
      %add3A_25 = arith.addi %mul3A_23, %add3A_24 : i32
      %dma_start3A_26 = arith.constant 0 : i32
      %dma_start3A_27 = tpu.memref_slice %arg7[%add3A_25, %dma_start3A_26] : memref<125x80xi32, #tpu.memory_space<vmem>> -> memref<1x80xi32, #tpu.memory_space<vmem>>
      %dma_start3A_28 = tpu.memref_squeeze %dma_start3A_27 : memref<1x80xi32, #tpu.memory_space<vmem>> -> memref<80xi32, #tpu.memory_space<vmem>>
      %dma_start3A_29 = arith.constant 0 : i32
      %dma_start3A_30 = arith.constant 0 : i32
      %dma_start3A_31 = tpu.memref_slice %arg2[%dma_start3A_29, %dma_start3A_30] : memref<10240x128xf32, #tpu.memory_space<hbm>> -> memref<10240x128xf32, #tpu.memory_space<hbm>>
      tpu.enqueue_indirect_dma source(%dma_start3A_31 : memref<10240x128xf32, #tpu.memory_space<hbm>>) target(%arg10 : memref<80x128xf32, #tpu.memory_space<vmem>>) offsets(%dma_start3A_28 : memref<80xi32, #tpu.memory_space<vmem>>) semaphore(%arg13 : memref<!tpu.dma_semaphore, #tpu.memory_space<semaphore_mem>>)
      %sub3A = arith.constant 1 : i32
      %sub3A_32 = arith.subi %add3A_25, %sub3A : i32
      %dma_wait3A_33 = arith.constant 0 : i32
      %dma_wait3A_34 = tpu.memref_slice %arg7[%sub3A_32, %dma_wait3A_33] : memref<125x80xi32, #tpu.memory_space<vmem>> -> memref<1x80xi32, #tpu.memory_space<vmem>>
      %dma_wait3A_35 = tpu.memref_squeeze %dma_wait3A_34 : memref<1x80xi32, #tpu.memory_space<vmem>> -> memref<80xi32, #tpu.memory_space<vmem>>
      %dma_wait3A_36 = arith.constant 0 : i32
      %dma_wait3A_37 = arith.constant 0 : i32
      %dma_wait3A_38 = tpu.memref_slice %arg2[%dma_wait3A_36, %dma_wait3A_37] : memref<10240x128xf32, #tpu.memory_space<hbm>> -> memref<10240x128xf32, #tpu.memory_space<hbm>>
      tpu.wait_indirect_dma semaphore(%arg12 : memref<!tpu.dma_semaphore, #tpu.memory_space<semaphore_mem>>) src(%dma_wait3A_38 : memref<10240x128xf32, #tpu.memory_space<hbm>>) dst(%arg9 : memref<80x128xf32, #tpu.memory_space<vmem>>)
      %sub3A_39 = arith.constant 1 : i32
      %sub3A_40 = arith.subi %add3A_25, %sub3A_39 : i32
      "tpu.region"() ({
        %run_scoped3A_55 = tpu.sem_alloc : memref<!tpu.dma_semaphore, #tpu.memory_space<semaphore_mem>>
        %dma_start3A_56 = arith.constant 0 : i32
        %dma_start3A_57 = tpu.memref_slice %arg8[%sub3A_40, %dma_start3A_56] : memref<125x80xi32, #tpu.memory_space<vmem>> -> memref<1x80xi32, #tpu.memory_space<vmem>>
        %dma_start3A_58 = tpu.memref_squeeze %dma_start3A_57 : memref<1x80xi32, #tpu.memory_space<vmem>> -> memref<80xi32, #tpu.memory_space<vmem>>
        %dma_start3A_59 = arith.constant 0 : i32
        %dma_start3A_60 = arith.constant 0 : i32
        %dma_start3A_61 = tpu.memref_slice %arg11[%dma_start3A_59, %dma_start3A_60] : memref<10240x128xf32, #tpu.memory_space<vmem_shared>> -> memref<10240x128xf32, #tpu.memory_space<vmem_shared>>
        tpu.enqueue_indirect_dma source(%arg9 : memref<80x128xf32, #tpu.memory_space<vmem>>) target(%dma_start3A_61 : memref<10240x128xf32, #tpu.memory_space<vmem_shared>>) offsets(%dma_start3A_58 : memref<80xi32, #tpu.memory_space<vmem>>) semaphore(%run_scoped3A_55 : memref<!tpu.dma_semaphore, #tpu.memory_space<semaphore_mem>>) {add = true}
        %dma_wait3A_62 = arith.constant 0 : i32
        %dma_wait3A_63 = tpu.memref_slice %arg8[%sub3A_40, %dma_wait3A_62] : memref<125x80xi32, #tpu.memory_space<vmem>> -> memref<1x80xi32, #tpu.memory_space<vmem>>
        %dma_wait3A_64 = tpu.memref_squeeze %dma_wait3A_63 : memref<1x80xi32, #tpu.memory_space<vmem>> -> memref<80xi32, #tpu.memory_space<vmem>>
        %dma_wait3A_65 = arith.constant 0 : i32
        %dma_wait3A_66 = arith.constant 0 : i32
        %dma_wait3A_67 = tpu.memref_slice %arg11[%dma_wait3A_65, %dma_wait3A_66] : memref<10240x128xf32, #tpu.memory_space<vmem_shared>> -> memref<10240x128xf32, #tpu.memory_space<vmem_shared>>
        tpu.wait_indirect_dma semaphore(%run_scoped3A_55 : memref<!tpu.dma_semaphore, #tpu.memory_space<semaphore_mem>>) src(%arg9 : memref<80x128xf32, #tpu.memory_space<vmem>>) dst(%dma_wait3A_67 : memref<10240x128xf32, #tpu.memory_space<vmem_shared>>)
        tpu.yield
      }) : () -> ()
      %add3A_41 = arith.constant 1 : i32
      %add3A_42 = arith.addi %add3A_25, %add3A_41 : i32
      %dma_start3A_43 = arith.constant 0 : i32
      %dma_start3A_44 = tpu.memref_slice %arg7[%add3A_42, %dma_start3A_43] : memref<125x80xi32, #tpu.memory_space<vmem>> -> memref<1x80xi32, #tpu.memory_space<vmem>>
      %dma_start3A_45 = tpu.memref_squeeze %dma_start3A_44 : memref<1x80xi32, #tpu.memory_space<vmem>> -> memref<80xi32, #tpu.memory_space<vmem>>
      %dma_start3A_46 = arith.constant 0 : i32
      %dma_start3A_47 = arith.constant 0 : i32
      %dma_start3A_48 = tpu.memref_slice %arg2[%dma_start3A_46, %dma_start3A_47] : memref<10240x128xf32, #tpu.memory_space<hbm>> -> memref<10240x128xf32, #tpu.memory_space<hbm>>
      tpu.enqueue_indirect_dma source(%dma_start3A_48 : memref<10240x128xf32, #tpu.memory_space<hbm>>) target(%arg9 : memref<80x128xf32, #tpu.memory_space<vmem>>) offsets(%dma_start3A_45 : memref<80xi32, #tpu.memory_space<vmem>>) semaphore(%arg12 : memref<!tpu.dma_semaphore, #tpu.memory_space<semaphore_mem>>)
      %dma_wait3A_49 = arith.constant 0 : i32
      %dma_wait3A_50 = tpu.memref_slice %arg7[%add3A_25, %dma_wait3A_49] : memref<125x80xi32, #tpu.memory_space<vmem>> -> memref<1x80xi32, #tpu.memory_space<vmem>>
      %dma_wait3A_51 = tpu.memref_squeeze %dma_wait3A_50 : memref<1x80xi32, #tpu.memory_space<vmem>> -> memref<80xi32, #tpu.memory_space<vmem>>
      %dma_wait3A_52 = arith.constant 0 : i32
      %dma_wait3A_53 = arith.constant 0 : i32
      %dma_wait3A_54 = tpu.memref_slice %arg2[%dma_wait3A_52, %dma_wait3A_53] : memref<10240x128xf32, #tpu.memory_space<hbm>> -> memref<10240x128xf32, #tpu.memory_space<hbm>>
      tpu.wait_indirect_dma semaphore(%arg13 : memref<!tpu.dma_semaphore, #tpu.memory_space<semaphore_mem>>) src(%dma_wait3A_54 : memref<10240x128xf32, #tpu.memory_space<hbm>>) dst(%arg10 : memref<80x128xf32, #tpu.memory_space<vmem>>)
      "tpu.region"() ({
        %run_scoped3A_55 = tpu.sem_alloc : memref<!tpu.dma_semaphore, #tpu.memory_space<semaphore_mem>>
        %dma_start3A_56 = arith.constant 0 : i32
        %dma_start3A_57 = tpu.memref_slice %arg8[%add3A_25, %dma_start3A_56] : memref<125x80xi32, #tpu.memory_space<vmem>> -> memref<1x80xi32, #tpu.memory_space<vmem>>
        %dma_start3A_58 = tpu.memref_squeeze %dma_start3A_57 : memref<1x80xi32, #tpu.memory_space<vmem>> -> memref<80xi32, #tpu.memory_space<vmem>>
        %dma_start3A_59 = arith.constant 0 : i32
        %dma_start3A_60 = arith.constant 0 : i32
        %dma_start3A_61 = tpu.memref_slice %arg11[%dma_start3A_59, %dma_start3A_60] : memref<10240x128xf32, #tpu.memory_space<vmem_shared>> -> memref<10240x128xf32, #tpu.memory_space<vmem_shared>>
        tpu.enqueue_indirect_dma source(%arg10 : memref<80x128xf32, #tpu.memory_space<vmem>>) target(%dma_start3A_61 : memref<10240x128xf32, #tpu.memory_space<vmem_shared>>) offsets(%dma_start3A_58 : memref<80xi32, #tpu.memory_space<vmem>>) semaphore(%run_scoped3A_55 : memref<!tpu.dma_semaphore, #tpu.memory_space<semaphore_mem>>) {add = true}
        %dma_wait3A_62 = arith.constant 0 : i32
        %dma_wait3A_63 = tpu.memref_slice %arg8[%add3A_25, %dma_wait3A_62] : memref<125x80xi32, #tpu.memory_space<vmem>> -> memref<1x80xi32, #tpu.memory_space<vmem>>
        %dma_wait3A_64 = tpu.memref_squeeze %dma_wait3A_63 : memref<1x80xi32, #tpu.memory_space<vmem>> -> memref<80xi32, #tpu.memory_space<vmem>>
        %dma_wait3A_65 = arith.constant 0 : i32
        %dma_wait3A_66 = arith.constant 0 : i32
        %dma_wait3A_67 = tpu.memref_slice %arg11[%dma_wait3A_65, %dma_wait3A_66] : memref<10240x128xf32, #tpu.memory_space<vmem_shared>> -> memref<10240x128xf32, #tpu.memory_space<vmem_shared>>
        tpu.wait_indirect_dma semaphore(%run_scoped3A_55 : memref<!tpu.dma_semaphore, #tpu.memory_space<semaphore_mem>>) src(%arg10 : memref<80x128xf32, #tpu.memory_space<vmem>>) dst(%dma_wait3A_67 : memref<10240x128xf32, #tpu.memory_space<vmem_shared>>)
        tpu.yield
      }) : () -> ()
    }
    %scan3A_13 = arith.constant 62 : i32
    %dma_wait3A = arith.constant 124 : i32
    %dma_wait3A_14 = arith.constant 0 : i32
    %dma_wait3A_15 = tpu.memref_slice %arg7[%dma_wait3A, %dma_wait3A_14] : memref<125x80xi32, #tpu.memory_space<vmem>> -> memref<1x80xi32, #tpu.memory_space<vmem>>
    %dma_wait3A_16 = tpu.memref_squeeze %dma_wait3A_15 : memref<1x80xi32, #tpu.memory_space<vmem>> -> memref<80xi32, #tpu.memory_space<vmem>>
    %dma_wait3A_17 = arith.constant 0 : i32
    %dma_wait3A_18 = arith.constant 0 : i32
    %dma_wait3A_19 = tpu.memref_slice %arg2[%dma_wait3A_17, %dma_wait3A_18] : memref<10240x128xf32, #tpu.memory_space<hbm>> -> memref<10240x128xf32, #tpu.memory_space<hbm>>
    tpu.wait_indirect_dma semaphore(%arg12 : memref<!tpu.dma_semaphore, #tpu.memory_space<semaphore_mem>>) src(%dma_wait3A_19 : memref<10240x128xf32, #tpu.memory_space<hbm>>) dst(%arg9 : memref<80x128xf32, #tpu.memory_space<vmem>>)
    %run_scoped3A = arith.constant 124 : i32
    "tpu.region"() ({
      %run_scoped3A_21 = tpu.sem_alloc : memref<!tpu.dma_semaphore, #tpu.memory_space<semaphore_mem>>
      %dma_start3A_22 = arith.constant 0 : i32
      %dma_start3A_23 = tpu.memref_slice %arg8[%run_scoped3A, %dma_start3A_22] : memref<125x80xi32, #tpu.memory_space<vmem>> -> memref<1x80xi32, #tpu.memory_space<vmem>>
      %dma_start3A_24 = tpu.memref_squeeze %dma_start3A_23 : memref<1x80xi32, #tpu.memory_space<vmem>> -> memref<80xi32, #tpu.memory_space<vmem>>
      %dma_start3A_25 = arith.constant 0 : i32
      %dma_start3A_26 = arith.constant 0 : i32
      %dma_start3A_27 = tpu.memref_slice %arg11[%dma_start3A_25, %dma_start3A_26] : memref<10240x128xf32, #tpu.memory_space<vmem_shared>> -> memref<10240x128xf32, #tpu.memory_space<vmem_shared>>
      tpu.enqueue_indirect_dma source(%arg9 : memref<80x128xf32, #tpu.memory_space<vmem>>) target(%dma_start3A_27 : memref<10240x128xf32, #tpu.memory_space<vmem_shared>>) offsets(%dma_start3A_24 : memref<80xi32, #tpu.memory_space<vmem>>) semaphore(%run_scoped3A_21 : memref<!tpu.dma_semaphore, #tpu.memory_space<semaphore_mem>>) {add = true}
      %dma_wait3A_28 = arith.constant 0 : i32
      %dma_wait3A_29 = tpu.memref_slice %arg8[%run_scoped3A, %dma_wait3A_28] : memref<125x80xi32, #tpu.memory_space<vmem>> -> memref<1x80xi32, #tpu.memory_space<vmem>>
      %dma_wait3A_30 = tpu.memref_squeeze %dma_wait3A_29 : memref<1x80xi32, #tpu.memory_space<vmem>> -> memref<80xi32, #tpu.memory_space<vmem>>
      %dma_wait3A_31 = arith.constant 0 : i32
      %dma_wait3A_32 = arith.constant 0 : i32
      %dma_wait3A_33 = tpu.memref_slice %arg11[%dma_wait3A_31, %dma_wait3A_32] : memref<10240x128xf32, #tpu.memory_space<vmem_shared>> -> memref<10240x128xf32, #tpu.memory_space<vmem_shared>>
      tpu.wait_indirect_dma semaphore(%run_scoped3A_21 : memref<!tpu.dma_semaphore, #tpu.memory_space<semaphore_mem>>) src(%arg9 : memref<80x128xf32, #tpu.memory_space<vmem>>) dst(%dma_wait3A_33 : memref<10240x128xf32, #tpu.memory_space<vmem_shared>>)
      tpu.yield
    }) : () -> ()
    %barrier3A_20 = arith.constant 0 : index
    tpu.barrier barrier_id(%barrier3A_20)
    "tpu.region"() ({
      %run_scoped3A_21 = tpu.sem_alloc : memref<!tpu.dma_semaphore, #tpu.memory_space<semaphore_mem>>
      %dma_start3A_22 = arith.constant 0 : i32
      %dma_start3A_23 = tpu.memref_slice %arg6[%arg0, %mul3A_2, %dma_start3A_22] : memref<2x10240x128xf32, #tpu.memory_space<hbm>> -> memref<1x640x128xf32, #tpu.memory_space<hbm>>
      %dma_start3A_24 = tpu.memref_squeeze %dma_start3A_23 : memref<1x640x128xf32, #tpu.memory_space<hbm>> -> memref<640x128xf32, #tpu.memory_space<hbm>>
      %dma_start3A_25 = arith.constant 0 : i32
      %dma_start3A_26 = tpu.memref_slice %arg11[%mul3A_2, %dma_start3A_25] : memref<10240x128xf32, #tpu.memory_space<vmem_shared>> -> memref<640x128xf32, #tpu.memory_space<vmem_shared>>
      tpu.enqueue_dma source(%dma_start3A_26 : memref<640x128xf32, #tpu.memory_space<vmem_shared>>) target(%dma_start3A_24 : memref<640x128xf32, #tpu.memory_space<hbm>>) target_semaphore(%run_scoped3A_21 : memref<!tpu.dma_semaphore, #tpu.memory_space<semaphore_mem>>)
      %dma_wait3A_27 = arith.constant 0 : i32
      %dma_wait3A_28 = tpu.memref_slice %arg6[%arg0, %mul3A_2, %dma_wait3A_27] : memref<2x10240x128xf32, #tpu.memory_space<hbm>> -> memref<1x640x128xf32, #tpu.memory_space<hbm>>
      %dma_wait3A_29 = tpu.memref_squeeze %dma_wait3A_28 : memref<1x640x128xf32, #tpu.memory_space<hbm>> -> memref<640x128xf32, #tpu.memory_space<hbm>>
      %dma_wait3A_30 = arith.constant 0 : i32
      %dma_wait3A_31 = tpu.memref_slice %arg11[%mul3A_2, %dma_wait3A_30] : memref<10240x128xf32, #tpu.memory_space<vmem_shared>> -> memref<640x128xf32, #tpu.memory_space<vmem_shared>>
      tpu.wait_dma2 semaphore(%run_scoped3A_21 : memref<!tpu.dma_semaphore, #tpu.memory_space<semaphore_mem>>) src(%dma_wait3A_31 : memref<640x128xf32, #tpu.memory_space<vmem_shared>>) dst(%dma_wait3A_29 : memref<640x128xf32, #tpu.memory_space<hbm>>)
      tpu.yield
    }) : () -> ()
    return
  }
}

module attributes {stable_mosaic.version = 14 : i64} {
  func.func @body(%arg0: i32, %arg1: memref<1024x128xf32, #tpu.memory_space<vmem>>, %arg2: memref<1024x128xf32, #tpu.memory_space<vmem>>, %arg3: memref<32x1024xf32, #tpu.memory_space<vmem>>, %arg4: memref<128x128xf32, #tpu.memory_space<vmem>>, %arg5: memref<1x128xf32, #tpu.memory_space<vmem>>, %arg6: memref<1024x128xf32, #tpu.memory_space<vmem>>) attributes {dimension_semantics = [#tpu.dimension_semantics<arbitrary>], iteration_bounds = array<i64: 10>, scalar_prefetch = 0 : i64, scratch_operands = 0 : i64, tpu.core_type = #tpu.core_type<tc>, window_params = [{transform_indices = @transform_0, window_bounds = array<i64: 1024, 128>}, {transform_indices = @transform_1, window_bounds = array<i64: 1024, 128>}, {transform_indices = @transform_2, window_bounds = array<i64: 32, 1024>}, {pipeline_mode = #tpu.pipeline_mode<synchronous>, transform_indices = @transform_3, window_bounds = array<i64: 128, 128>}, {pipeline_mode = #tpu.pipeline_mode<synchronous>, transform_indices = @transform_4, window_bounds = array<i64: 1, 128>}, {transform_indices = @transform_5, window_bounds = array<i64: 1024, 128>}]} {
    %get3A = arith.constant 0 : index
    %get3A_0 = arith.constant 0 : index
    %get3A_1 = vector.load %arg1[%get3A, %get3A_0] : memref<1024x128xf32, #tpu.memory_space<vmem>>, vector<1024x128xf32>
    %get3A_2 = arith.constant 0 : index
    %get3A_3 = arith.constant 0 : index
    %get3A_4 = vector.load %arg2[%get3A_2, %get3A_3] : memref<1024x128xf32, #tpu.memory_space<vmem>>, vector<1024x128xf32>
    %add3A = arith.addf %get3A_1, %get3A_4 : vector<1024x128xf32>
    %get3A_5 = arith.constant 0 : index
    %get3A_6 = arith.constant 0 : index
    %get3A_7 = vector.load %arg3[%get3A_5, %get3A_6] : memref<32x1024xf32, #tpu.memory_space<vmem>>, vector<32x1024xf32>
    %reduce_sum3A = arith.constant dense<0.000000e+00> : vector<1024xf32>
    %reduce_sum3A_8 = vector.multi_reduction <add>, %get3A_7, %reduce_sum3A [0] : vector<32x1024xf32> to vector<1024xf32>
    %broadcast_in_dim3A = vector.shape_cast %reduce_sum3A_8 : vector<1024xf32> to vector<1024x1xf32>
    %max3A = arith.constant 1.000000e+00 : f32
    %max3A_9 = vector.broadcast %max3A : f32 to vector<1024x1xf32>
    %max3A_10 = arith.maximumf %broadcast_in_dim3A, %max3A_9 : vector<1024x1xf32>
    %div3A = vector.broadcast %max3A_10 : vector<1024x1xf32> to vector<1024x128xf32>
    %div3A_11 = arith.divf %add3A, %div3A : vector<1024x128xf32>
    %get3A_12 = arith.constant 0 : index
    %get3A_13 = arith.constant 0 : index
    %get3A_14 = vector.load %arg4[%get3A_12, %get3A_13] : memref<128x128xf32, #tpu.memory_space<vmem>>, vector<128x128xf32>
    %dot_general3A = arith.constant dense<0.000000e+00> : vector<1024x128xf32>
    %dot_general3A_15 = tpu.matmul %div3A_11, %get3A_14, %dot_general3A {dimension_numbers = #tpu.dot_dimension_numbers<[1], [0], [0], [1], [0, 0, 1, 1], [], []>, transpose_lhs_hint = false} : vector<1024x128xf32>, vector<128x128xf32>, vector<1024x128xf32> -> vector<1024x128xf32>
    %get3A_16 = arith.constant 0 : index
    %get3A_17 = arith.constant 0 : index
    %get3A_18 = vector.load %arg5[%get3A_16, %get3A_17] : memref<1x128xf32, #tpu.memory_space<vmem>>, vector<1x128xf32>
    %add3A_19 = vector.broadcast %get3A_18 : vector<1x128xf32> to vector<1024x128xf32>
    %add3A_20 = arith.addf %dot_general3A_15, %add3A_19 : vector<1024x128xf32>
    %max3A_21 = arith.constant 0.000000e+00 : f32
    %max3A_22 = vector.broadcast %max3A_21 : f32 to vector<1024x128xf32>
    %max3A_23 = arith.maximumf %add3A_20, %max3A_22 : vector<1024x128xf32>
    %swap3A = arith.constant 0 : index
    %swap3A_24 = arith.constant 0 : index
    %swap3A_25 = vector.load %arg6[%swap3A, %swap3A_24] : memref<1024x128xf32, #tpu.memory_space<vmem>>, vector<1024x128xf32>
    tpu.vector_store %arg6[%swap3A, %swap3A_24], %max3A_23 {strides = array<i32>} : memref<1024x128xf32, #tpu.memory_space<vmem>>, vector<1024x128xf32>,
    return
  }
  func.func @transform_0(%arg0: i32) -> (i32, i32) {
    %c0_i32 = arith.constant 0 : i32
    %c0_i32_0 = arith.constant 0 : i32
    return %arg0, %c0_i32 : i32, i32
  }
  func.func @transform_1(%arg0: i32) -> (i32, i32) {
    %c0_i32 = arith.constant 0 : i32
    %c0_i32_0 = arith.constant 0 : i32
    return %arg0, %c0_i32 : i32, i32
  }
  func.func @transform_2(%arg0: i32) -> (i32, i32) {
    %c0_i32 = arith.constant 0 : i32
    %c0_i32_0 = arith.constant 0 : i32
    return %c0_i32, %arg0 : i32, i32
  }
  func.func @transform_3(%arg0: i32) -> (i32, i32) {
    %c0_i32 = arith.constant 0 : i32
    %c0_i32_0 = arith.constant 0 : i32
    %c0_i32_1 = arith.constant 0 : i32
    return %c0_i32, %c0_i32_0 : i32, i32
  }
  func.func @transform_4(%arg0: i32) -> (i32, i32) {
    %c0_i32 = arith.constant 0 : i32
    %c0_i32_0 = arith.constant 0 : i32
    %c0_i32_1 = arith.constant 0 : i32
    return %c0_i32, %c0_i32_0 : i32, i32
  }
  func.func @transform_5(%arg0: i32) -> (i32, i32) {
    %c0_i32 = arith.constant 0 : i32
    %c0_i32_0 = arith.constant 0 : i32
    return %arg0, %c0_i32 : i32, i32
  }
}

module attributes {stable_mosaic.version = 14 : i64} {
  func.func @body(%arg0: i32, %arg1: memref<1024x128xf32, #tpu.memory_space<vmem>>, %arg2: memref<1024x128xf32, #tpu.memory_space<vmem>>, %arg3: memref<32x1024xf32, #tpu.memory_space<vmem>>, %arg4: memref<128x16xf32, #tpu.memory_space<vmem>>, %arg5: memref<1x16xf32, #tpu.memory_space<vmem>>, %arg6: memref<1024x16xf32, #tpu.memory_space<vmem>>) attributes {dimension_semantics = [#tpu.dimension_semantics<arbitrary>], iteration_bounds = array<i64: 10>, scalar_prefetch = 0 : i64, scratch_operands = 0 : i64, tpu.core_type = #tpu.core_type<tc>, window_params = [{transform_indices = @transform_0, window_bounds = array<i64: 1024, 128>}, {transform_indices = @transform_1, window_bounds = array<i64: 1024, 128>}, {transform_indices = @transform_2, window_bounds = array<i64: 32, 1024>}, {pipeline_mode = #tpu.pipeline_mode<synchronous>, transform_indices = @transform_3, window_bounds = array<i64: 128, 16>}, {pipeline_mode = #tpu.pipeline_mode<synchronous>, transform_indices = @transform_4, window_bounds = array<i64: 1, 16>}, {transform_indices = @transform_5, window_bounds = array<i64: 1024, 16>}]} {
    %get3A = arith.constant 0 : index
    %get3A_0 = arith.constant 0 : index
    %get3A_1 = vector.load %arg1[%get3A, %get3A_0] : memref<1024x128xf32, #tpu.memory_space<vmem>>, vector<1024x128xf32>
    %get3A_2 = arith.constant 0 : index
    %get3A_3 = arith.constant 0 : index
    %get3A_4 = vector.load %arg2[%get3A_2, %get3A_3] : memref<1024x128xf32, #tpu.memory_space<vmem>>, vector<1024x128xf32>
    %add3A = arith.addf %get3A_1, %get3A_4 : vector<1024x128xf32>
    %get3A_5 = arith.constant 0 : index
    %get3A_6 = arith.constant 0 : index
    %get3A_7 = vector.load %arg3[%get3A_5, %get3A_6] : memref<32x1024xf32, #tpu.memory_space<vmem>>, vector<32x1024xf32>
    %reduce_sum3A = arith.constant dense<0.000000e+00> : vector<1024xf32>
    %reduce_sum3A_8 = vector.multi_reduction <add>, %get3A_7, %reduce_sum3A [0] : vector<32x1024xf32> to vector<1024xf32>
    %broadcast_in_dim3A = vector.shape_cast %reduce_sum3A_8 : vector<1024xf32> to vector<1024x1xf32>
    %max3A = arith.constant 1.000000e+00 : f32
    %max3A_9 = vector.broadcast %max3A : f32 to vector<1024x1xf32>
    %max3A_10 = arith.maximumf %broadcast_in_dim3A, %max3A_9 : vector<1024x1xf32>
    %div3A = vector.broadcast %max3A_10 : vector<1024x1xf32> to vector<1024x128xf32>
    %div3A_11 = arith.divf %add3A, %div3A : vector<1024x128xf32>
    %get3A_12 = arith.constant 0 : index
    %get3A_13 = arith.constant 0 : index
    %get3A_14 = vector.load %arg4[%get3A_12, %get3A_13] : memref<128x16xf32, #tpu.memory_space<vmem>>, vector<128x16xf32>
    %dot_general3A = arith.constant dense<0.000000e+00> : vector<1024x16xf32>
    %dot_general3A_15 = tpu.matmul %div3A_11, %get3A_14, %dot_general3A {dimension_numbers = #tpu.dot_dimension_numbers<[1], [0], [0], [1], [0, 0, 1, 1], [], []>, transpose_lhs_hint = false} : vector<1024x128xf32>, vector<128x16xf32>, vector<1024x16xf32> -> vector<1024x16xf32>
    %get3A_16 = arith.constant 0 : index
    %get3A_17 = arith.constant 0 : index
    %get3A_18 = vector.load %arg5[%get3A_16, %get3A_17] : memref<1x16xf32, #tpu.memory_space<vmem>>, vector<1x16xf32>
    %add3A_19 = vector.broadcast %get3A_18 : vector<1x16xf32> to vector<1024x16xf32>
    %add3A_20 = arith.addf %dot_general3A_15, %add3A_19 : vector<1024x16xf32>
    %swap3A = arith.constant 0 : index
    %swap3A_21 = arith.constant 0 : index
    %swap3A_22 = vector.load %arg6[%swap3A, %swap3A_21] : memref<1024x16xf32, #tpu.memory_space<vmem>>, vector<1024x16xf32>
    tpu.vector_store %arg6[%swap3A, %swap3A_21], %add3A_20 {strides = array<i32>} : memref<1024x16xf32, #tpu.memory_space<vmem>>, vector<1024x16xf32>,
    return
  }
  func.func @transform_0(%arg0: i32) -> (i32, i32) {
    %c0_i32 = arith.constant 0 : i32
    %c0_i32_0 = arith.constant 0 : i32
    return %arg0, %c0_i32 : i32, i32
  }
  func.func @transform_1(%arg0: i32) -> (i32, i32) {
    %c0_i32 = arith.constant 0 : i32
    %c0_i32_0 = arith.constant 0 : i32
    return %arg0, %c0_i32 : i32, i32
  }
  func.func @transform_2(%arg0: i32) -> (i32, i32) {
    %c0_i32 = arith.constant 0 : i32
    %c0_i32_0 = arith.constant 0 : i32
    return %c0_i32, %arg0 : i32, i32
  }
  func.func @transform_3(%arg0: i32) -> (i32, i32) {
    %c0_i32 = arith.constant 0 : i32
    %c0_i32_0 = arith.constant 0 : i32
    %c0_i32_1 = arith.constant 0 : i32
    return %c0_i32, %c0_i32_0 : i32, i32
  }
  func.func @transform_4(%arg0: i32) -> (i32, i32) {
    %c0_i32 = arith.constant 0 : i32
    %c0_i32_0 = arith.constant 0 : i32
    %c0_i32_1 = arith.constant 0 : i32
    return %c0_i32, %c0_i32_0 : i32, i32
  }
  func.func @transform_5(%arg0: i32) -> (i32, i32) {
    %c0_i32 = arith.constant 0 : i32
    %c0_i32_0 = arith.constant 0 : i32
    return %arg0, %c0_i32 : i32, i32
  }
}

</mosaic_0001>

<sc_bundles>
// kernel: kernel.10.cloned.1.call-start
scs
__scs_entry_jumppad:
0x0: {  	(pc) =	sbr.rel $0x88, $3  }
0x1: {  	(tag) =	ssettag $0x0;
	lr =	simm.s32 $0x1  }
0x2: {  	[smem:$0x3F9B] =	sst lr;
	_ =	strace $0xD0000000  }
0x3: {  	_ = 	snop  }
0x4: {  	_ = 	snop  }
0x5: {  	_ = 	snop  }
0x6: {  	_ = 	snop  }
0x7: {  	_ = 	snop  }
__scs_overlays_trampoline_lowered:
0x8: {  	[smem:$0x3FAA] =	sst s0  }
0x9: {  	[smem:$0x3FAB] =	sst s1  }
0xa: {  	[smem:$0x3FAC] =	sst s2  }
0xb: {  	[smem:$0x3FAD] =	sst s3  }
0xc: {  	[smem:$0x3FAE] =	sst s4  }
0xd: {  	[smem:$0x3FAF] =	sst s5  }
0xe: {  	[smem:$0x3FB0] =	sst s6  }
0xf: {  	[smem:$0x3FB1] =	sst s7  }
0x10: {  	[smem:$0x3FB2] =	sst s8  }
0x11: {  	[smem:$0x3FB3] =	sst s9;
	s0 =	simm.s32 @!p0 $0x0  }
0x12: {  	s1 =	sld [smem:$0x3F99];
	s0 =	simm.s32 @p0 $0x1  }
0x13: {  	[smem:$0x3FB4] =	sst s0;
	s0 =	simm.s32 @!p1 $0x0  }
0x14: {  	s2 =	sld [smem:$0x3F98];
	s0 =	simm.s32 @p1 $0x1  }
0x15: {  	[smem:$0x3FB5] =	sst s0;
	s0 =	simm.s32 @!p2 $0x0  }
0x16: {  	s3 =	sld [smem:$0x3FDB];
	s0 =	simm.s32 @p2 $0x1  }
0x17: {  	s4 =	simm.s32 $0x1BF5;
	[smem:$0x3FB7] =	sst s0  }
0x18: {  	s0 =	sld [smem:$0x3F9A];
	_ =	swait.ge [sflag:s4], $0x0  }
0x19: {  	s7 =	sld [smem:$0x3F9B]  }
0x1a: {  	s8 =	sadd.s32 $0xFFFFE003, lr  }
0x1b: {  	s9 =	sadd.s32 $0xFFFFFEF7, lr;
	s5 =	simm.s32 $0xFFFFFFFF;
	p2 =	slt.u32 s8, $0xFFFFF086  }
0x1c: {  	p1 =	slt.u32 s9, $0xF7A;
	s5 =	simm.s32 @!p2 $0x0  }
0x1d: {  	s5 =	simm.s32 @p1 $0x1;
	p0 =	seq.s32 s7, s2  }
0x1e: {  	s7 =	smul.u32 @!p0 $0xF7A, s2;
	p2 =	seq.s32 @!p0 s5, $0x0  }
0x1f: {  	s9 =	smul.u32 $0xF7A, s1;
	s8 =	simm.s32 @!p0 $0x1BF5;
	p2 =	por !p2, p0  }
0x20: {  	[sflag:s8] =	ssyncset.s32 @!p0 $0xFFFFF086;
	s6 =	sadd.s32 @!p0 s3, s7;
	s7 =	simm.s32 @!p0 $0x108  }
0x21: {  	s3 =	sadd.s32 s3, s9;
	s6 =	sadd.s32 @!p0 $0x88, s6;
	s7 =	simm.s32 @p2 $0x1082  }
0x22: {  	[simem:s7], [sflag:s8] =	dma.local @!p0 [hbm:s6], $0xF7A  }
0x23: {  	s9 =	sor.u32 $0xD0000000, s2;
	s6 =	simm.s32 $0x108;
	_ =	swait.ge @!p0 [sflag:s8], $0x0  }
0x24: {  	s3 =	sadd.s32 $0x88, s3;
	s6 =	simm.s32 @!p1 $0x1082;
	[sflag:s4] =	ssyncset.s32 $0xFFFFF086  }
0x25: {  	[simem:s6], [sflag:s4] =	dma.local [hbm:s3], $0xF7A  }
0x26: {  	[smem:$0x3F9B] =	sst s1;
	(tag) =	ssettag s2;
	_ =	strace s9  }
0x27: {  	s1 =	sld [smem:$0x3FAB]  }
0x28: {  	s2 =	sld [smem:$0x3FAC]  }
0x29: {  	s4 =	sld [smem:$0x3FAE]  }
0x2a: {  	p0 =	seq.s32 s5, $0x0;
	s5 =	sld [smem:$0x3FAF]  }
0x2b: {  	s6 =	sld [smem:$0x3FB0]  }
0x2c: {  	s7 =	sld [smem:$0x3FB1]  }
0x2d: {  	s3 =	simm.s32 $0x108;
	s8 =	sld [smem:$0x3FB2]  }
0x2e: {  	s3 =	simm.s32 @!p0 $0x1082;
	s9 =	sld [smem:$0x3FB3]  }
0x2f: {  	lr =	sadd.s32 s0, s3;
	s0 =	sld [smem:$0x3FAA]  }
0x30: {  	s3 =	sld [smem:$0x3FAD]  }
0x31: {  	[smem:$0x3FB6] =	sst s10  }
0x32: {  	s10 =	sld [smem:$0x3FB4];
	_ =	sdelay $0x3  }
0x33: {  	p0 =	seq.s32 s10, $0x1;
	s10 =	sld [smem:$0x3FB6];
	_ =	sdelay $0x3  }
0x34: {  	[smem:$0x3FB6] =	sst s10  }
0x35: {  	s10 =	sld [smem:$0x3FB5];
	_ =	sdelay $0x3  }
0x36: {  	p1 =	seq.s32 s10, $0x1;
	s10 =	sld [smem:$0x3FB6];
	_ =	sdelay $0x3  }
0x37: {  	[smem:$0x3FB6] =	sst s10  }
0x38: {  	s10 =	sld [smem:$0x3FB7]  }
0x39: {  	_ = 	snop;
	(pc) =	sbr.ind lr, $3  }
0x3a: {  	_ = 	snop  }
0x3b: {  	_ = 	snop  }
0x3c: {  	p2 =	seq.s32 s10, $0x1;
	s10 =	sld [smem:$0x3FB6]  }
0x3d: {  	_ =	shalt  }
0x3e: {  	_ =	shalt  }
0x3f: {  	_ =	shalt  }
0x40: {  	_ =	shalt  }
0x41: {  	_ =	shalt  }
0x42: {  	_ =	shalt  }
0x43: {  	_ =	shalt  }
0x44: {  	_ =	shalt  }
0x45: {  	_ =	shalt  }
0x46: {  	_ =	shalt  }
0x47: {  	_ =	shalt  }
0x48: {  	_ =	shalt  }
0x49: {  	_ =	shalt  }
0x4a: {  	_ =	shalt  }
0x4b: {  	_ =	shalt  }
0x4c: {  	_ =	shalt  }
0x4d: {  	_ =	shalt  }
0x4e: {  	_ =	shalt  }
0x4f: {  	_ =	shalt  }
0x50: {  	_ =	shalt  }
0x51: {  	_ =	shalt  }
0x52: {  	_ =	shalt  }
0x53: {  	_ =	shalt  }
0x54: {  	_ =	shalt  }
0x55: {  	_ =	shalt  }
0x56: {  	_ =	shalt  }
0x57: {  	_ =	shalt  }
0x58: {  	_ =	shalt  }
0x59: {  	_ =	shalt  }
0x5a: {  	_ =	shalt  }
0x5b: {  	_ =	shalt  }
0x5c: {  	_ =	shalt  }
0x5d: {  	_ =	shalt  }
0x5e: {  	_ =	shalt  }
0x5f: {  	_ =	shalt  }
0x60: {  	_ =	shalt  }
0x61: {  	_ =	shalt  }
0x62: {  	_ =	shalt  }
0x63: {  	_ =	shalt  }
0x64: {  	_ =	shalt  }
0x65: {  	_ =	shalt  }
0x66: {  	_ =	shalt  }
0x67: {  	_ =	shalt  }
0x68: {  	_ =	shalt  }
0x69: {  	_ =	shalt  }
0x6a: {  	_ =	shalt  }
0x6b: {  	_ =	shalt  }
0x6c: {  	_ =	shalt  }
0x6d: {  	_ =	shalt  }
0x6e: {  	_ =	shalt  }
0x6f: {  	_ =	shalt  }
0x70: {  	_ =	shalt  }
0x71: {  	_ =	shalt  }
0x72: {  	_ =	shalt  }
0x73: {  	_ =	shalt  }
0x74: {  	_ =	shalt  }
0x75: {  	_ =	shalt  }
0x76: {  	_ =	shalt  }
0x77: {  	_ =	shalt  }
0x78: {  	_ =	shalt  }
0x79: {  	_ =	shalt  }
0x7a: {  	_ =	shalt  }
0x7b: {  	_ =	shalt  }
0x7c: {  	_ =	shalt  }
0x7d: {  	_ =	shalt  }
0x7e: {  	_ =	shalt  }
0x7f: {  	_ =	shalt  }
0x80: {  	_ =	shalt  }
0x81: {  	_ =	shalt  }
0x82: {  	_ =	shalt  }
0x83: {  	_ =	shalt  }
0x84: {  	_ =	shalt  }
0x85: {  	_ =	shalt  }
0x86: {  	_ =	shalt  }
0x87: {  	_ =	shalt  }
.Lfunc_end0:
.L_simem_size_0:
called_computation.1_lowered:
.L_overlay_start_0:
0x88: {  	s2 =	sld [smem:$0x3FD9]  }
0x89: {  	s3 =	sld [smem:$0x3FFE];
	_ =	sdelay $0x1  }
0x8a: {  	s1 =	srdreg.scid  }
0x8b: {  	s0 =	sand.u32 $0x1, s1  }
0x8c: {  	s17 =	sshll.u32 s0, $0xA;
	s2 =	sadd.s32 s3, s2  }
0x8d: {  	s2 =	sadd.s32 s2, s17  }
0x8e: {  	[smem:$0x3FC2] =	sst s2  }
0x8f: {  	_ = 	snop  }
0x90: {  	s2 =	sld [smem:$0x3FC9];
	(tm) =	ssettm $0x1  }
0x91: {  	s18 =	sld [smem:$0x3FFB];
	_ =	sdelay $0x3  }
0x92: {  	_ =	strace s18  }
0x93: {  	s3 =	sld [smem:$0x3FFC];
	_ =	sdelay $0x3  }
0x94: {  	_ =	strace s3  }
0x95: {  	s3 =	sld [smem:$0x3FFD];
	_ =	sdelay $0x3  }
0x96: {  	_ =	strace s3  }
0x97: {  	_ =	strace $0x8FFFFFFF  }
0x98: {  	s19 =	sld [smem:$0x3FDB];
	_ =	sdelay $0x1  }
0x99: {  	s4 =	simm.s32 $_scs_section_size  }
0x9a: {  	s5 =	simm.s32 $_size__tile_overlayer_lowered;
	s6 =	simm.s32 $_tile_overlayer_lowered  }
0x9b: {  	s22 =	simm.s32 $0x1BFF;
	s21 =	sshll.u32 s6, $0x1;
	s3 =	sadd.s32 s4, s19  }
0x9c: {  	s7 =	simm.s32 $0x0;
	s20 =	sshll.u32 s5, $0x1;
	s5 =	sadd.s32 s21, s3  }
0x9d: {  	[timem:s7], [sflag:s22] =	dma.local [hbm:s5], s20  }
0x9e: {  	_ =	swait.ge [sflag:s22], s20  }
0x9f: {  	s4 =	ssub.s32 $0x0, s20;
	[sflag:s22] =	ssyncset.done $0x0  }
0xa0: {  	[sflag:s22] =	ssyncadd.s32 s4;
	_ =	sdelay $0x1  }
0xa1: {  	s23 =	simm.s32 $0x1B8B  }
0xa2: {  	_ =	swait.ge [sflag:s23], $0x1  }
0xa3: {  	[sflag:s23] =	ssyncset.done $0x0  }
0xa4: {  	s25 =	simm.s32 $0x1B8E;
	s24 =	sld [smem:$0x3FFE];
	[sflag:s23] =	ssyncadd.s32 $0xFFFFFFFF  }
0xa5: {  	s26 =	simm.s32 $execute0_lowered;
	[smem:$0x3FD2] =	sst s25  }
0xa6: {  	s5 =	sshll.u32 s26, $0x1;
	_ =	strace $0x80000046;
	[dreg:$0x1] =	wrdreg $0xFFFFFFFF  }
0xa7: {  	s28 =	simm.s32 $_size_execute0_lowered;
	s3 =	sadd.s32 s3, s5;
	[dreg:$0x0] =	wrdreg $0x0  }
0xa8: {  	s5 =	sshll.u32 s28, $0x1;
	[dreg:$0x2] =	wrdreg s3  }
0xa9: {  	[dreg:$0x3] =	wrdreg s5  }
0xaa: {  	[dreg:$0x4] =	wrdreg $0xC0  }
0xab: {  	_ =	task [dreg:s7], $0x5FFFF  }
0xac: {  	[dreg:$0x1] =	wrdreg $0xFFFFFFFF  }
0xad: {  	[dreg:$0x0] =	wrdreg $0x60  }
0xae: {  	[dreg:$0x2] =	wrdreg s2  }
0xaf: {  	[dreg:$0x3] =	wrdreg s24  }
0xb0: {  	[dreg:$0x4] =	wrdreg $0x9E200  }
0xb1: {  	[dreg:$0x5] =	wrdreg $0xA  }
0xb2: {  	_ =	task.clear_ibuf [dreg:s7], $0x6FFFF;
	_ =	strace $0x90000046  }
0xb3: {  	s29 =	simm.s32 $0xA;
	_ =	strace $0x80000048  }
0xb4: {  	_ =	swait.ge [sflag:s29], $0x1  }
0xb5: {  	[sflag:s29] =	ssyncadd.s32 $0xFFFFFFFF  }
0xb6: {  	_ =	strace $0x90000048  }
0xb7: {  	_ =	sfence  }
0xb8: {  	s30 =	sld [smem:$0x0];
	_ =	sdelay $0x2  }
0xb9: {  	s31 =	sshll.u32 s1, $0xD;
	s1 =	sshrl.u32 s1, $0x2  }
0xba: {  	s3 =	sand.u32 $0x4000, s31;
	s1 =	sadd.s32 s1, s30  }
0xbb: {  	s0 =	sor.u32 s3, s0;
	s1 =	sshll.u32 s1, $0x11  }
0xbc: {  	s0 =	sor.u32 s1, s0  }
0xbd: {  	s0 =	sadd.s32 $0x8F2B, s0  }
0xbe: {  	[sflag:s0] =	ssyncadd.remote.s32 $0x1  }
0xbf: {  	_ =	sfence.sel $0xFFFF  }
0xc0: {  	[dreg:$0x0] =	wrdreg $0xFFFFFFFF;
	(pc) =	sbr.abs _section_cstart, $3  }
0xc1: {  	[dreg:$0x1] =	wrdreg $0xFFFFFFFF  }
0xc2: {  	_ =	task.clear_ibuf [dreg:s7], $0x2FFFF;
	_ =	strace $0x9FFFFFFF  }
0xc3: {  	(tm) =	ssettm $0x7FFFFFFF  }
tec
execute0_lowered:
.L_overlay_start_1:
0x0: {  	(tag) =	ssettag $0x1  }
0x1: {  	s1 =	rddreg [dreg:$0x0]  }
0x2: {  	s0 =	srdreg.scid;
	s6 =	rddreg [dreg:$0x1]  }
0x3: {  	s3 =	rddreg [dreg:$0x2];
	s4 =	simm.s32 $0x0;
	s14 =	simm.s32 $0x50  }
0x4: {  	s15 =	simm.s32 $0x4E20;
	s16 =	simm.s32 $0x7620;
	s17 =	simm.s32 $0x1  }
0x5: {  	s18 =	simm.s32 $0x2;
	s5 =	sand.u32 $0x1, s0;
	s0 =	stileid.u32  }
0x6: {  	s19 =	simm.s32 $0x4DD0;
	s20 =	simm.s32 $0x0;
	s8 =	smul.u32 $0x14000, s0  }
0x7: {  	[smem:$0x7FF] =	sst s4;
	s2 =	sshll.u32 s5, $0x4;
	s9 =	smul.u32 $0x140000, s5  }
0x8: {  	s5 =	ssub.s32 $0x2, s5;
	s31 =	sshll.u32 s0, $0x6;
	s2 =	sor.u32 s0, s2  }
0x9: {  	s11 =	sshrl.u32 s5, $0x1;
	s7 =	smul.u32 $0x4E2, s2;
	s2 =	rddreg [dreg:$0x3]  }
0xa: {  	_ =	strace $0x80000047;
	s29 =	sadd.s32 s8, s9;
	s30 =	sshrl.u32 s8, $0x3  }
0xb: {  	s11 =	ssub.s32 s5, s11;
	s13 =	sadd.s32 s8, s3;
	s9 =	sadd.s32 s30, s6  }
0xc: {  	s10 =	sadd.s32 s7, s6;
	s7 =	sshrl.u32 s29, $0x3;
	s5 =	sadd.s32 $0x15200, s9  }
0xd: {  	s12 =	sadd.s32 s7, s6;
	s6 =	sor.u32 $0x1C03, s31;
	s7 =	sadd.s32 $0xB400, s10  }
0xe: {  	s8 =	sadd.s32 $0x1600, s10;
	s10 =	smax.u32 s11, $0x1;
	s11 =	sshrl.u32 s13, $0x3  }
0xf: {  	s13 =	simm.s32 $0x2710;
	s9 =	sadd.s32 $0x3D200, s12;
	s12 =	simm.s32 $0x3  }
.LBB2_1:
0x10: {  	[spmem:s11], [sflag:s6] =	dma.local [hbm:s5], $0x2800  }
0x11: {  	_ =	swait.ge [sflag:s12], $0x2800  }
0x12: {  	[sflag:s12] =	ssyncset.done $0x0  }
0x13: {  	[sflag:s12] =	ssyncadd.s32 $0xFFFFD800  }
0x14: {  	[tilespmem:s4], [sflag:$0x3] =	stream.linear.gather [hbm4b:s7+s4], $0x2710, $0x38;
	[tilespmem:$0x1DE20] =	vst v63  }
0x15: {  	_ =	swait.ge [sflag:s12], $0x2710  }
0x16: {  	[sflag:s12] =	ssyncset.done $0x0  }
0x17: {  	[sflag:s12] =	ssyncadd.s32 $0xFFFFD8F0  }
0x18: {  	[tilespmem:s13], [sflag:$0x3] =	stream.linear.gather [hbm4b:s8+s4], $0x2710, $0x38;
	[tilespmem:$0x1DE20] =	vst v63  }
0x19: {  	_ =	swait.ge [sflag:s12], $0x2710  }
0x1a: {  	[sflag:s12] =	ssyncset.done $0x0  }
0x1b: {  	[sflag:s12] =	ssyncadd.s32 $0xFFFFD8F0  }
0x1c: {  	[bflag:$0x0] =	sbarrier.arrive $0xFFFF  }
0x1d: {  	[tilespmem:s15], [sflag:$0x1] =	stream.indirect.gather [hbm4b:s1+s14], $0x80, s4, s14, $0xb8;
	[tilespmem:$0x1DE20] =	vst v63  }
0x1e: {  	s21 =	simm.s32 $0x50  }
0x1f: {  	[tilespmem:s16], [sflag:$0x2] =	stream.indirect.gather [hbm4b:s1+s14], $0x80, s21, s14, $0xb8;
	[tilespmem:$0x1DE20] =	vst v63  }
0x20: {  	_ =	swait.ge [sflag:s17], $0x2800  }
0x21: {  	[sflag:s17] =	ssyncset.done $0x0  }
0x22: {  	s29 =	simm.s32 $0x2710;
	[sflag:s17] =	ssyncadd.s32 $0xFFFFD800  }
0x23: {  	[spmem:s3] =	stream.indirect.scatter.add.f32 [tilespmem:s15], [sflag:$0x3], $0x80, s29, s14, $0xb8;
	[tilespmem:$0x1DE20] =	vst v63  }
0x24: {  	_ =	swait.ge [sflag:s12], $0x2800  }
0x25: {  	[sflag:s12] =	ssyncset.done $0x0  }
0x26: {  	s30 =	simm.s32 $0xA0;
	[sflag:s12] =	ssyncadd.s32 $0xFFFFD800  }
0x27: {  	[tilespmem:s15], [sflag:$0x1] =	stream.indirect.gather [hbm4b:s1+s14], $0x80, s30, s14, $0xb8;
	[tilespmem:$0x1DE20] =	vst v63  }
0x28: {  	_ =	swait.ge [sflag:s18], $0x2800  }
0x29: {  	[sflag:s18] =	ssyncset.done $0x0  }
0x2a: {  	s31 =	simm.s32 $0x2760;
	[sflag:s18] =	ssyncadd.s32 $0xFFFFD800  }
0x2b: {  	[spmem:s3] =	stream.indirect.scatter.add.f32 [tilespmem:s16], [sflag:$0x3], $0x80, s31, s14, $0xb8;
	[tilespmem:$0x1DE20] =	vst v63  }
0x2c: {  	_ =	swait.ge [sflag:s12], $0x2800  }
0x2d: {  	s22 =	simm.s32 $0x500;
	s21 =	simm.s32 $0xA0;
	[sflag:s12] =	ssyncset.done $0x0  }
.LBB2_2:
0x2e: {  	s23 =	sadd.s32 $0x50, s21  }
0x2f: {  	[sflag:s12] =	ssyncadd.s32 $0xFFFFD800;
	s24 =	smov.u32 s22;
	s25 =	sadd.s32 $0x280, s22  }
0x30: {  	[tilespmem:s16], [sflag:$0x2] =	stream.indirect.gather [hbm4b:s1+s14], $0x80, s23, s14, $0xb8;
	[tilespmem:$0x1DE20] =	vst v63  }
0x31: {  	p0 =	sne.s32 s22, $0x9880;
	_ =	swait.ge [sflag:s17], $0x2800  }
0x32: {  	[sflag:s17] =	ssyncset.done $0x0  }
0x33: {  	s22 =	sadd.s32 $0x2710, s21;
	[sflag:s17] =	ssyncadd.s32 $0xFFFFD800  }
0x34: {  	[spmem:s3] =	stream.indirect.scatter.add.f32 [tilespmem:s15], [sflag:$0x3], $0x80, s22, s14, $0xb8;
	[tilespmem:$0x1DE20] =	vst v63  }
0x35: {  	_ =	swait.ge [sflag:s12], $0x2800  }
0x36: {  	[sflag:s12] =	ssyncset.done $0x0  }
0x37: {  	s22 =	sadd.s32 $0xA0, s21;
	[sflag:s12] =	ssyncadd.s32 $0xFFFFD800  }
0x38: {  	[tilespmem:s15], [sflag:$0x1] =	stream.indirect.gather [hbm4b:s1+s14], $0x80, s22, s14, $0xb8;
	[tilespmem:$0x1DE20] =	vst v63  }
0x39: {  	_ =	swait.ge [sflag:s18], $0x2800  }
.Ltmp0:
0x3a: {  	[sflag:s18] =	ssyncset.done $0x0;
	(pc) =	sbr.rel @p0 .LBB2_2-.Ltmp0, $4  }
0x3b: {  	s21 =	sadd.s32 $0x2760, s21;
	[sflag:s18] =	ssyncadd.s32 $0xFFFFD800  }
0x3c: {  	[spmem:s3] =	stream.indirect.scatter.add.f32 [tilespmem:s16], [sflag:$0x3], $0x80, s21, s14, $0xb8;
	[tilespmem:$0x1DE20] =	vst v63  }
0x3d: {  	_ =	swait.ge [sflag:s12], $0x2800  }
0x3e: {  	s22 =	smov.u32 s25;
	s21 =	sshra.s32 s24, $0x2;
	[sflag:s12] =	ssyncset.done $0x0  }
0x3f: {  	s22 =	sadd.s32 $0x50, s21;
	[sflag:s12] =	ssyncadd.s32 $0xFFFFD800  }
0x40: {  	[tilespmem:s16], [sflag:$0x2] =	stream.indirect.gather [hbm4b:s1+s14], $0x80, s22, s14, $0xb8;
	[tilespmem:$0x1DE20] =	vst v63  }
0x41: {  	_ =	swait.ge [sflag:s17], $0x2800  }
0x42: {  	[sflag:s17] =	ssyncset.done $0x0  }
0x43: {  	s29 =	sadd.s32 $0x2710, s21;
	[sflag:s17] =	ssyncadd.s32 $0xFFFFD800  }
0x44: {  	[spmem:s3] =	stream.indirect.scatter.add.f32 [tilespmem:s15], [sflag:$0x3], $0x80, s29, s14, $0xb8;
	[tilespmem:$0x1DE20] =	vst v63  }
0x45: {  	_ =	swait.ge [sflag:s12], $0x2800  }
0x46: {  	[sflag:s12] =	ssyncset.done $0x0  }
0x47: {  	s30 =	sadd.s32 $0xA0, s21;
	[sflag:s12] =	ssyncadd.s32 $0xFFFFD800  }
0x48: {  	[tilespmem:s15], [sflag:$0x1] =	stream.indirect.gather [hbm4b:s1+s14], $0x80, s30, s14, $0xb8;
	[tilespmem:$0x1DE20] =	vst v63  }
0x49: {  	_ =	swait.ge [sflag:s18], $0x2800  }
0x4a: {  	[sflag:s18] =	ssyncset.done $0x0  }
0x4b: {  	s31 =	sadd.s32 $0x2760, s21;
	[sflag:s18] =	ssyncadd.s32 $0xFFFFD800  }
0x4c: {  	[spmem:s3] =	stream.indirect.scatter.add.f32 [tilespmem:s16], [sflag:$0x3], $0x80, s31, s14, $0xb8;
	[tilespmem:$0x1DE20] =	vst v63  }
0x4d: {  	_ =	swait.ge [sflag:s12], $0x2800  }
0x4e: {  	[sflag:s12] =	ssyncset.done $0x0  }
0x4f: {  	[sflag:s12] =	ssyncadd.s32 $0xFFFFD800  }
0x50: {  	_ =	swait.ge [sflag:s17], $0x2800  }
0x51: {  	[sflag:s17] =	ssyncset.done $0x0  }
0x52: {  	[sflag:s17] =	ssyncadd.s32 $0xFFFFD800  }
0x53: {  	[spmem:s3] =	stream.indirect.scatter.add.f32 [tilespmem:s15], [sflag:$0x3], $0x80, s19, s14, $0xb8;
	[tilespmem:$0x1DE20] =	vst v63  }
0x54: {  	_ =	swait.ge [sflag:s12], $0x2800  }
0x55: {  	s20 =	sadd.s32 $0x1, s20;
	[sflag:s12] =	ssyncset.done $0x0  }
0x56: {  	p0 =	sne.s32 s20, s10;
	[sflag:s12] =	ssyncadd.s32 $0xFFFFD800  }
.Ltmp1:
0x57: {  	[bflag:$0x0] =	sbarrier.arrive $0xFFFF;
	(pc) =	sbr.rel @p0 .LBB2_1-.Ltmp1, $4  }
0x58: {  	[hbm:s9], [sflag:s6] =	dma.local [spmem:s11], $0x2800  }
0x59: {  	_ =	swait.ge [sflag:s12], $0x2800  }
0x5a: {  	[sflag:s12] =	ssyncset.done $0x0  }
0x5b: {  	[sflag:s12] =	ssyncadd.s32 $0xFFFFD800  }
0x5c: {  	_ =	sfence.sel $0x180000  }
0x5d: {  	[bflag:$0x0] =	sbarrier.arrive $0xFFFF  }
0x5e: {  	p0 =	sne.s32 s0, $0x0;
	_ =	strace $0x90000047  }
0x5f: {  	s0 =	sadd.s32 @!p0 $0x100000, s2;
	[bflag:$0x2] =	sbarrier.arrive $0xFFFF  }
0x60: {  	[sflag:s0] =	ssyncadd.tile.s32 @!p0 $0x1;
	_ =	shalt  }
.Lfunc_end2:
_tile_overlayer_lowered:
.L_overlay_start_2:
0x61: {  	(tag) =	ssettag $0x2  }
0x62: {  	s0 =	rddreg [dreg:$0x0];
	s2 =	stileid.u32  }
0x63: {  	s1 =	rddreg [dreg:$0x1];
	p0 =	sne.s32 s2, $0x0  }
0x64: {  	s3 =	rddreg [dreg:$0x2];
	[bflag:$0x3] =	sbarrier.arrive $0xFFFF;
	s2 =	simm.s32 @!p0 $0x1C03  }
0x65: {  	[timem:s3], [sflag:s2] =	dma.local @!p0 [hbm:s0], s1  }
0x66: {  	s0 =	simm.s32 @!p0 $0x3  }
0x67: {  	_ =	swait.ge @!p0 [sflag:s0], s1  }
0x68: {  	s1 =	ssub.s32 @!p0 $0x0, s1;
	[sflag:s0] =	ssyncset.done @!p0 $0x0  }
0x69: {  	[sflag:s0] =	ssyncadd.s32 @!p0 s1  }
0x6a: {  	[bflag:$0x3] =	sbarrier.arrive $0xFFFF  }
0x6b: {  	_ =	shalt  }

// kernel: kernel.13.cloned.1.call-start
scs
__scs_entry_jumppad:
0x0: {  	(pc) =	sbr.rel $0x88, $3  }
0x1: {  	(tag) =	ssettag $0x0;
	lr =	simm.s32 $0x1  }
0x2: {  	[smem:$0x3F9B] =	sst lr;
	_ =	strace $0xD0000000  }
0x3: {  	_ = 	snop  }
0x4: {  	_ = 	snop  }
0x5: {  	_ = 	snop  }
0x6: {  	_ = 	snop  }
0x7: {  	_ = 	snop  }
__scs_overlays_trampoline_lowered:
0x8: {  	[smem:$0x3FAA] =	sst s0  }
0x9: {  	[smem:$0x3FAB] =	sst s1  }
0xa: {  	[smem:$0x3FAC] =	sst s2  }
0xb: {  	[smem:$0x3FAD] =	sst s3  }
0xc: {  	[smem:$0x3FAE] =	sst s4  }
0xd: {  	[smem:$0x3FAF] =	sst s5  }
0xe: {  	[smem:$0x3FB0] =	sst s6  }
0xf: {  	[smem:$0x3FB1] =	sst s7  }
0x10: {  	[smem:$0x3FB2] =	sst s8  }
0x11: {  	[smem:$0x3FB3] =	sst s9;
	s0 =	simm.s32 @!p0 $0x0  }
0x12: {  	s1 =	sld [smem:$0x3F99];
	s0 =	simm.s32 @p0 $0x1  }
0x13: {  	[smem:$0x3FB4] =	sst s0;
	s0 =	simm.s32 @!p1 $0x0  }
0x14: {  	s2 =	sld [smem:$0x3F98];
	s0 =	simm.s32 @p1 $0x1  }
0x15: {  	[smem:$0x3FB5] =	sst s0;
	s0 =	simm.s32 @!p2 $0x0  }
0x16: {  	s3 =	sld [smem:$0x3FDB];
	s0 =	simm.s32 @p2 $0x1  }
0x17: {  	s4 =	simm.s32 $0x1BF5;
	[smem:$0x3FB7] =	sst s0  }
0x18: {  	s0 =	sld [smem:$0x3F9A];
	_ =	swait.ge [sflag:s4], $0x0  }
0x19: {  	s7 =	sld [smem:$0x3F9B]  }
0x1a: {  	s8 =	sadd.s32 $0xFFFFE003, lr  }
0x1b: {  	s9 =	sadd.s32 $0xFFFFFEF7, lr;
	s5 =	simm.s32 $0xFFFFFFFF;
	p2 =	slt.u32 s8, $0xFFFFF086  }
0x1c: {  	p1 =	slt.u32 s9, $0xF7A;
	s5 =	simm.s32 @!p2 $0x0  }
0x1d: {  	s5 =	simm.s32 @p1 $0x1;
	p0 =	seq.s32 s7, s2  }
0x1e: {  	s7 =	smul.u32 @!p0 $0xF7A, s2;
	p2 =	seq.s32 @!p0 s5, $0x0  }
0x1f: {  	s9 =	smul.u32 $0xF7A, s1;
	s8 =	simm.s32 @!p0 $0x1BF5;
	p2 =	por !p2, p0  }
0x20: {  	[sflag:s8] =	ssyncset.s32 @!p0 $0xFFFFF086;
	s6 =	sadd.s32 @!p0 s3, s7;
	s7 =	simm.s32 @!p0 $0x108  }
0x21: {  	s3 =	sadd.s32 s3, s9;
	s6 =	sadd.s32 @!p0 $0x88, s6;
	s7 =	simm.s32 @p2 $0x1082  }
0x22: {  	[simem:s7], [sflag:s8] =	dma.local @!p0 [hbm:s6], $0xF7A  }
0x23: {  	s9 =	sor.u32 $0xD0000000, s2;
	s6 =	simm.s32 $0x108;
	_ =	swait.ge @!p0 [sflag:s8], $0x0  }
0x24: {  	s3 =	sadd.s32 $0x88, s3;
	s6 =	simm.s32 @!p1 $0x1082;
	[sflag:s4] =	ssyncset.s32 $0xFFFFF086  }
0x25: {  	[simem:s6], [sflag:s4] =	dma.local [hbm:s3], $0xF7A  }
0x26: {  	[smem:$0x3F9B] =	sst s1;
	(tag) =	ssettag s2;
	_ =	strace s9  }
0x27: {  	s1 =	sld [smem:$0x3FAB]  }
0x28: {  	s2 =	sld [smem:$0x3FAC]  }
0x29: {  	s4 =	sld [smem:$0x3FAE]  }
0x2a: {  	p0 =	seq.s32 s5, $0x0;
	s5 =	sld [smem:$0x3FAF]  }
0x2b: {  	s6 =	sld [smem:$0x3FB0]  }
0x2c: {  	s7 =	sld [smem:$0x3FB1]  }
0x2d: {  	s3 =	simm.s32 $0x108;
	s8 =	sld [smem:$0x3FB2]  }
0x2e: {  	s3 =	simm.s32 @!p0 $0x1082;
	s9 =	sld [smem:$0x3FB3]  }
0x2f: {  	lr =	sadd.s32 s0, s3;
	s0 =	sld [smem:$0x3FAA]  }
0x30: {  	s3 =	sld [smem:$0x3FAD]  }
0x31: {  	[smem:$0x3FB6] =	sst s10  }
0x32: {  	s10 =	sld [smem:$0x3FB4];
	_ =	sdelay $0x3  }
0x33: {  	p0 =	seq.s32 s10, $0x1;
	s10 =	sld [smem:$0x3FB6];
	_ =	sdelay $0x3  }
0x34: {  	[smem:$0x3FB6] =	sst s10  }
0x35: {  	s10 =	sld [smem:$0x3FB5];
	_ =	sdelay $0x3  }
0x36: {  	p1 =	seq.s32 s10, $0x1;
	s10 =	sld [smem:$0x3FB6];
	_ =	sdelay $0x3  }
0x37: {  	[smem:$0x3FB6] =	sst s10  }
0x38: {  	s10 =	sld [smem:$0x3FB7]  }
0x39: {  	_ = 	snop;
	(pc) =	sbr.ind lr, $3  }
0x3a: {  	_ = 	snop  }
0x3b: {  	_ = 	snop  }
0x3c: {  	p2 =	seq.s32 s10, $0x1;
	s10 =	sld [smem:$0x3FB6]  }
0x3d: {  	_ =	shalt  }
0x3e: {  	_ =	shalt  }
0x3f: {  	_ =	shalt  }
0x40: {  	_ =	shalt  }
0x41: {  	_ =	shalt  }
0x42: {  	_ =	shalt  }
0x43: {  	_ =	shalt  }
0x44: {  	_ =	shalt  }
0x45: {  	_ =	shalt  }
0x46: {  	_ =	shalt  }
0x47: {  	_ =	shalt  }
0x48: {  	_ =	shalt  }
0x49: {  	_ =	shalt  }
0x4a: {  	_ =	shalt  }
0x4b: {  	_ =	shalt  }
0x4c: {  	_ =	shalt  }
0x4d: {  	_ =	shalt  }
0x4e: {  	_ =	shalt  }
0x4f: {  	_ =	shalt  }
0x50: {  	_ =	shalt  }
0x51: {  	_ =	shalt  }
0x52: {  	_ =	shalt  }
0x53: {  	_ =	shalt  }
0x54: {  	_ =	shalt  }
0x55: {  	_ =	shalt  }
0x56: {  	_ =	shalt  }
0x57: {  	_ =	shalt  }
0x58: {  	_ =	shalt  }
0x59: {  	_ =	shalt  }
0x5a: {  	_ =	shalt  }
0x5b: {  	_ =	shalt  }
0x5c: {  	_ =	shalt  }
0x5d: {  	_ =	shalt  }
0x5e: {  	_ =	shalt  }
0x5f: {  	_ =	shalt  }
0x60: {  	_ =	shalt  }
0x61: {  	_ =	shalt  }
0x62: {  	_ =	shalt  }
0x63: {  	_ =	shalt  }
0x64: {  	_ =	shalt  }
0x65: {  	_ =	shalt  }
0x66: {  	_ =	shalt  }
0x67: {  	_ =	shalt  }
0x68: {  	_ =	shalt  }
0x69: {  	_ =	shalt  }
0x6a: {  	_ =	shalt  }
0x6b: {  	_ =	shalt  }
0x6c: {  	_ =	shalt  }
0x6d: {  	_ =	shalt  }
0x6e: {  	_ =	shalt  }
0x6f: {  	_ =	shalt  }
0x70: {  	_ =	shalt  }
0x71: {  	_ =	shalt  }
0x72: {  	_ =	shalt  }
0x73: {  	_ =	shalt  }
0x74: {  	_ =	shalt  }
0x75: {  	_ =	shalt  }
0x76: {  	_ =	shalt  }
0x77: {  	_ =	shalt  }
0x78: {  	_ =	shalt  }
0x79: {  	_ =	shalt  }
0x7a: {  	_ =	shalt  }
0x7b: {  	_ =	shalt  }
0x7c: {  	_ =	shalt  }
0x7d: {  	_ =	shalt  }
0x7e: {  	_ =	shalt  }
0x7f: {  	_ =	shalt  }
0x80: {  	_ =	shalt  }
0x81: {  	_ =	shalt  }
0x82: {  	_ =	shalt  }
0x83: {  	_ =	shalt  }
0x84: {  	_ =	shalt  }
0x85: {  	_ =	shalt  }
0x86: {  	_ =	shalt  }
0x87: {  	_ =	shalt  }
.Lfunc_end0:
.L_simem_size_0:
called_computation.2_lowered:
.L_overlay_start_0:
0x88: {  	s2 =	sld [smem:$0x3FD9]  }
0x89: {  	s3 =	sld [smem:$0x3FFE];
	_ =	sdelay $0x1  }
0x8a: {  	s1 =	srdreg.scid  }
0x8b: {  	s0 =	sand.u32 $0x1, s1  }
0x8c: {  	s16 =	sshll.u32 s0, $0xA;
	s2 =	sadd.s32 s3, s2  }
0x8d: {  	s2 =	sadd.s32 s2, s16  }
0x8e: {  	[smem:$0x3FC2] =	sst s2  }
0x8f: {  	_ = 	snop  }
0x90: {  	(tm) =	ssettm $0x1  }
0x91: {  	s17 =	sld [smem:$0x3FFB];
	_ =	sdelay $0x3  }
0x92: {  	_ =	strace s17  }
0x93: {  	s2 =	sld [smem:$0x3FFC];
	_ =	sdelay $0x3  }
0x94: {  	_ =	strace s2  }
0x95: {  	s2 =	sld [smem:$0x3FFD];
	_ =	sdelay $0x3  }
0x96: {  	_ =	strace s2  }
0x97: {  	_ =	strace $0x8FFFFFFF  }
0x98: {  	s18 =	sld [smem:$0x3FDB];
	_ =	sdelay $0x1  }
0x99: {  	s19 =	simm.s32 $_scs_section_size  }
0x9a: {  	s4 =	simm.s32 $_size__tile_overlayer_lowered;
	s5 =	simm.s32 $_tile_overlayer_lowered  }
0x9b: {  	s22 =	simm.s32 $0x1BFF;
	s21 =	sshll.u32 s5, $0x1;
	s2 =	sadd.s32 s19, s18  }
0x9c: {  	s6 =	simm.s32 $0x0;
	s20 =	sshll.u32 s4, $0x1;
	s4 =	sadd.s32 s21, s2  }
0x9d: {  	[timem:s6], [sflag:s22] =	dma.local [hbm:s4], s20  }
0x9e: {  	_ =	swait.ge [sflag:s22], s20  }
0x9f: {  	s3 =	ssub.s32 $0x0, s20;
	[sflag:s22] =	ssyncset.done $0x0  }
0xa0: {  	[sflag:s22] =	ssyncadd.s32 s3;
	_ =	sdelay $0x1  }
0xa1: {  	s23 =	simm.s32 $0x1B8B  }
0xa2: {  	_ =	swait.ge [sflag:s23], $0x1  }
0xa3: {  	[sflag:s23] =	ssyncset.done $0x0  }
0xa4: {  	s25 =	simm.s32 $0x1B8E;
	s24 =	sld [smem:$0x3FFE];
	[sflag:s23] =	ssyncadd.s32 $0xFFFFFFFF  }
0xa5: {  	s26 =	simm.s32 $execute0_lowered;
	[smem:$0x3FD2] =	sst s25  }
0xa6: {  	s4 =	sshll.u32 s26, $0x1;
	_ =	strace $0x8000004C;
	[dreg:$0x1] =	wrdreg $0xFFFFFFFF  }
0xa7: {  	s28 =	simm.s32 $_size_execute0_lowered;
	s2 =	sadd.s32 s2, s4;
	[dreg:$0x0] =	wrdreg $0x0  }
0xa8: {  	s4 =	sshll.u32 s28, $0x1;
	[dreg:$0x2] =	wrdreg s2  }
0xa9: {  	[dreg:$0x3] =	wrdreg s4  }
0xaa: {  	[dreg:$0x4] =	wrdreg $0xC0  }
0xab: {  	_ =	task [dreg:s6], $0x5FFFF  }
0xac: {  	[dreg:$0x1] =	wrdreg $0xFFFFFFFF  }
0xad: {  	[dreg:$0x0] =	wrdreg $0x60  }
0xae: {  	[dreg:$0x2] =	wrdreg s24  }
0xaf: {  	[dreg:$0x3] =	wrdreg $0x9E200  }
0xb0: {  	[dreg:$0x4] =	wrdreg $0x9  }
0xb1: {  	_ =	task.clear_ibuf [dreg:s6], $0x5FFFF;
	_ =	strace $0x9000004C  }
0xb2: {  	s29 =	simm.s32 $0x9;
	_ =	strace $0x8000004E  }
0xb3: {  	_ =	swait.ge [sflag:s29], $0x1  }
0xb4: {  	[sflag:s29] =	ssyncadd.s32 $0xFFFFFFFF  }
0xb5: {  	_ =	strace $0x9000004E  }
0xb6: {  	_ =	sfence  }
0xb7: {  	s30 =	sld [smem:$0x0];
	_ =	sdelay $0x2  }
0xb8: {  	s31 =	sshll.u32 s1, $0xD;
	s1 =	sshrl.u32 s1, $0x2  }
0xb9: {  	s3 =	sand.u32 $0x4000, s31;
	s1 =	sadd.s32 s1, s30  }
0xba: {  	s0 =	sor.u32 s3, s0;
	s1 =	sshll.u32 s1, $0x11  }
0xbb: {  	s0 =	sor.u32 s1, s0  }
0xbc: {  	s0 =	sadd.s32 $0x8F2B, s0  }
0xbd: {  	[sflag:s0] =	ssyncadd.remote.s32 $0x1  }
0xbe: {  	_ =	sfence.sel $0xFFFF  }
0xbf: {  	[dreg:$0x0] =	wrdreg $0xFFFFFFFF;
	(pc) =	sbr.abs _section_cstart, $3  }
0xc0: {  	[dreg:$0x1] =	wrdreg $0xFFFFFFFF  }
0xc1: {  	_ =	task.clear_ibuf [dreg:s6], $0x2FFFF;
	_ =	strace $0x9FFFFFFF  }
0xc2: {  	(tm) =	ssettm $0x7FFFFFFF  }
0xc3: {  	_ =	shalt  }
tec
execute0_lowered:
.L_overlay_start_1:
0x0: {  	(tag) =	ssettag $0x1  }
0x1: {  	s6 =	rddreg [dreg:$0x0]  }
0x2: {  	s0 =	srdreg.scid;
	s2 =	rddreg [dreg:$0x1]  }
0x3: {  	s3 =	simm.s32 $0x0;
	s14 =	simm.s32 $0x50;
	s15 =	simm.s32 $0x4E20  }
0x4: {  	s16 =	simm.s32 $0x7620;
	s17 =	simm.s32 $0x1;
	s18 =	simm.s32 $0x2  }
0x5: {  	s19 =	simm.s32 $0x4DD0;
	s5 =	sand.u32 $0x1, s0;
	s0 =	stileid.u32  }
0x6: {  	s20 =	simm.s32 $0x0;
	[smem:$0x7FF] =	sst s3;
	s8 =	smul.u32 $0x14000, s0  }
0x7: {  	s4 =	sadd.s32 $0x3D200, s6;
	s1 =	sshll.u32 s5, $0x4;
	s9 =	smul.u32 $0x140000, s5  }
0x8: {  	s5 =	ssub.s32 $0x2, s5;
	s31 =	sshll.u32 s0, $0x6;
	s1 =	sor.u32 s0, s1  }
0x9: {  	s11 =	sshrl.u32 s5, $0x1;
	s7 =	smul.u32 $0x4E2, s1;
	s1 =	rddreg [dreg:$0x2]  }
0xa: {  	_ =	strace $0x8000004D;
	s29 =	sadd.s32 s8, s9;
	s30 =	sshrl.u32 s8, $0x3  }
0xb: {  	s11 =	ssub.s32 s5, s11;
	s13 =	sadd.s32 s8, s2;
	s9 =	sadd.s32 s30, s6  }
0xc: {  	s10 =	sadd.s32 s7, s6;
	s7 =	sshrl.u32 s29, $0x3;
	s5 =	sadd.s32 $0x15200, s9  }
0xd: {  	s12 =	sadd.s32 s7, s6;
	s6 =	sor.u32 $0x1C03, s31;
	s7 =	sadd.s32 $0xB400, s10  }
0xe: {  	s8 =	sadd.s32 $0x1600, s10;
	s10 =	smax.u32 s11, $0x1;
	s11 =	sshrl.u32 s13, $0x3  }
0xf: {  	s13 =	simm.s32 $0x2710;
	s9 =	sadd.s32 $0x65200, s12;
	s12 =	simm.s32 $0x3  }
.LBB2_1:
0x10: {  	[spmem:s11], [sflag:s6] =	dma.local [hbm:s5], $0x2800  }
0x11: {  	_ =	swait.ge [sflag:s12], $0x2800  }
0x12: {  	[sflag:s12] =	ssyncset.done $0x0  }
0x13: {  	[sflag:s12] =	ssyncadd.s32 $0xFFFFD800  }
0x14: {  	[tilespmem:s3], [sflag:$0x3] =	stream.linear.gather [hbm4b:s7+s3], $0x2710, $0x38;
	[tilespmem:$0x1DE20] =	vst v63  }
0x15: {  	_ =	swait.ge [sflag:s12], $0x2710  }
0x16: {  	[sflag:s12] =	ssyncset.done $0x0  }
0x17: {  	[sflag:s12] =	ssyncadd.s32 $0xFFFFD8F0  }
0x18: {  	[tilespmem:s13], [sflag:$0x3] =	stream.linear.gather [hbm4b:s8+s3], $0x2710, $0x38;
	[tilespmem:$0x1DE20] =	vst v63  }
0x19: {  	_ =	swait.ge [sflag:s12], $0x2710  }
0x1a: {  	[sflag:s12] =	ssyncset.done $0x0  }
0x1b: {  	[sflag:s12] =	ssyncadd.s32 $0xFFFFD8F0  }
0x1c: {  	[bflag:$0x0] =	sbarrier.arrive $0xFFFF  }
0x1d: {  	[tilespmem:s15], [sflag:$0x1] =	stream.indirect.gather [hbm4b:s4+s14], $0x80, s3, s14, $0xb8;
	[tilespmem:$0x1DE20] =	vst v63  }
0x1e: {  	s21 =	simm.s32 $0x50  }
0x1f: {  	[tilespmem:s16], [sflag:$0x2] =	stream.indirect.gather [hbm4b:s4+s14], $0x80, s21, s14, $0xb8;
	[tilespmem:$0x1DE20] =	vst v63  }
0x20: {  	_ =	swait.ge [sflag:s17], $0x2800  }
0x21: {  	[sflag:s17] =	ssyncset.done $0x0  }
0x22: {  	s29 =	simm.s32 $0x2710;
	[sflag:s17] =	ssyncadd.s32 $0xFFFFD800  }
0x23: {  	[spmem:s2] =	stream.indirect.scatter.add.f32 [tilespmem:s15], [sflag:$0x3], $0x80, s29, s14, $0xb8;
	[tilespmem:$0x1DE20] =	vst v63  }
0x24: {  	_ =	swait.ge [sflag:s12], $0x2800  }
0x25: {  	[sflag:s12] =	ssyncset.done $0x0  }
0x26: {  	s30 =	simm.s32 $0xA0;
	[sflag:s12] =	ssyncadd.s32 $0xFFFFD800  }
0x27: {  	[tilespmem:s15], [sflag:$0x1] =	stream.indirect.gather [hbm4b:s4+s14], $0x80, s30, s14, $0xb8;
	[tilespmem:$0x1DE20] =	vst v63  }
0x28: {  	_ =	swait.ge [sflag:s18], $0x2800  }
0x29: {  	[sflag:s18] =	ssyncset.done $0x0  }
0x2a: {  	s31 =	simm.s32 $0x2760;
	[sflag:s18] =	ssyncadd.s32 $0xFFFFD800  }
0x2b: {  	[spmem:s2] =	stream.indirect.scatter.add.f32 [tilespmem:s16], [sflag:$0x3], $0x80, s31, s14, $0xb8;
	[tilespmem:$0x1DE20] =	vst v63  }
0x2c: {  	_ =	swait.ge [sflag:s12], $0x2800  }
0x2d: {  	s22 =	simm.s32 $0x500;
	s21 =	simm.s32 $0xA0;
	[sflag:s12] =	ssyncset.done $0x0  }
.LBB2_2:
0x2e: {  	s23 =	sadd.s32 $0x50, s21  }
0x2f: {  	[sflag:s12] =	ssyncadd.s32 $0xFFFFD800;
	s24 =	smov.u32 s22;
	s25 =	sadd.s32 $0x280, s22  }
0x30: {  	[tilespmem:s16], [sflag:$0x2] =	stream.indirect.gather [hbm4b:s4+s14], $0x80, s23, s14, $0xb8;
	[tilespmem:$0x1DE20] =	vst v63  }
0x31: {  	p0 =	sne.s32 s22, $0x9880;
	_ =	swait.ge [sflag:s17], $0x2800  }
0x32: {  	[sflag:s17] =	ssyncset.done $0x0  }
0x33: {  	s22 =	sadd.s32 $0x2710, s21;
	[sflag:s17] =	ssyncadd.s32 $0xFFFFD800  }
0x34: {  	[spmem:s2] =	stream.indirect.scatter.add.f32 [tilespmem:s15], [sflag:$0x3], $0x80, s22, s14, $0xb8;
	[tilespmem:$0x1DE20] =	vst v63  }
0x35: {  	_ =	swait.ge [sflag:s12], $0x2800  }
0x36: {  	[sflag:s12] =	ssyncset.done $0x0  }
0x37: {  	s22 =	sadd.s32 $0xA0, s21;
	[sflag:s12] =	ssyncadd.s32 $0xFFFFD800  }
0x38: {  	[tilespmem:s15], [sflag:$0x1] =	stream.indirect.gather [hbm4b:s4+s14], $0x80, s22, s14, $0xb8;
	[tilespmem:$0x1DE20] =	vst v63  }
0x39: {  	_ =	swait.ge [sflag:s18], $0x2800  }
.Ltmp0:
0x3a: {  	[sflag:s18] =	ssyncset.done $0x0;
	(pc) =	sbr.rel @p0 .LBB2_2-.Ltmp0, $4  }
0x3b: {  	s21 =	sadd.s32 $0x2760, s21;
	[sflag:s18] =	ssyncadd.s32 $0xFFFFD800  }
0x3c: {  	[spmem:s2] =	stream.indirect.scatter.add.f32 [tilespmem:s16], [sflag:$0x3], $0x80, s21, s14, $0xb8;
	[tilespmem:$0x1DE20] =	vst v63  }
0x3d: {  	_ =	swait.ge [sflag:s12], $0x2800  }
0x3e: {  	s22 =	smov.u32 s25;
	s21 =	sshra.s32 s24, $0x2;
	[sflag:s12] =	ssyncset.done $0x0  }
0x3f: {  	s22 =	sadd.s32 $0x50, s21;
	[sflag:s12] =	ssyncadd.s32 $0xFFFFD800  }
0x40: {  	[tilespmem:s16], [sflag:$0x2] =	stream.indirect.gather [hbm4b:s4+s14], $0x80, s22, s14, $0xb8;
	[tilespmem:$0x1DE20] =	vst v63  }
0x41: {  	_ =	swait.ge [sflag:s17], $0x2800  }
0x42: {  	[sflag:s17] =	ssyncset.done $0x0  }
0x43: {  	s29 =	sadd.s32 $0x2710, s21;
	[sflag:s17] =	ssyncadd.s32 $0xFFFFD800  }
0x44: {  	[spmem:s2] =	stream.indirect.scatter.add.f32 [tilespmem:s15], [sflag:$0x3], $0x80, s29, s14, $0xb8;
	[tilespmem:$0x1DE20] =	vst v63  }
0x45: {  	_ =	swait.ge [sflag:s12], $0x2800  }
0x46: {  	[sflag:s12] =	ssyncset.done $0x0  }
0x47: {  	s30 =	sadd.s32 $0xA0, s21;
	[sflag:s12] =	ssyncadd.s32 $0xFFFFD800  }
0x48: {  	[tilespmem:s15], [sflag:$0x1] =	stream.indirect.gather [hbm4b:s4+s14], $0x80, s30, s14, $0xb8;
	[tilespmem:$0x1DE20] =	vst v63  }
0x49: {  	_ =	swait.ge [sflag:s18], $0x2800  }
0x4a: {  	[sflag:s18] =	ssyncset.done $0x0  }
0x4b: {  	s31 =	sadd.s32 $0x2760, s21;
	[sflag:s18] =	ssyncadd.s32 $0xFFFFD800  }
0x4c: {  	[spmem:s2] =	stream.indirect.scatter.add.f32 [tilespmem:s16], [sflag:$0x3], $0x80, s31, s14, $0xb8;
	[tilespmem:$0x1DE20] =	vst v63  }
0x4d: {  	_ =	swait.ge [sflag:s12], $0x2800  }
0x4e: {  	[sflag:s12] =	ssyncset.done $0x0  }
0x4f: {  	[sflag:s12] =	ssyncadd.s32 $0xFFFFD800  }
0x50: {  	_ =	swait.ge [sflag:s17], $0x2800  }
0x51: {  	[sflag:s17] =	ssyncset.done $0x0  }
0x52: {  	[sflag:s17] =	ssyncadd.s32 $0xFFFFD800  }
0x53: {  	[spmem:s2] =	stream.indirect.scatter.add.f32 [tilespmem:s15], [sflag:$0x3], $0x80, s19, s14, $0xb8;
	[tilespmem:$0x1DE20] =	vst v63  }
0x54: {  	_ =	swait.ge [sflag:s12], $0x2800  }
0x55: {  	s20 =	sadd.s32 $0x1, s20;
	[sflag:s12] =	ssyncset.done $0x0  }
0x56: {  	p0 =	sne.s32 s20, s10;
	[sflag:s12] =	ssyncadd.s32 $0xFFFFD800  }
.Ltmp1:
0x57: {  	[bflag:$0x0] =	sbarrier.arrive $0xFFFF;
	(pc) =	sbr.rel @p0 .LBB2_1-.Ltmp1, $4  }
0x58: {  	[hbm:s9], [sflag:s6] =	dma.local [spmem:s11], $0x2800  }
0x59: {  	_ =	swait.ge [sflag:s12], $0x2800  }
0x5a: {  	[sflag:s12] =	ssyncset.done $0x0  }
0x5b: {  	[sflag:s12] =	ssyncadd.s32 $0xFFFFD800  }
0x5c: {  	_ =	sfence.sel $0x180000  }
0x5d: {  	[bflag:$0x0] =	sbarrier.arrive $0xFFFF  }
0x5e: {  	p0 =	sne.s32 s0, $0x0;
	_ =	strace $0x9000004D  }
0x5f: {  	s0 =	sadd.s32 @!p0 $0x100000, s1;
	[bflag:$0x2] =	sbarrier.arrive $0xFFFF  }
0x60: {  	[sflag:s0] =	ssyncadd.tile.s32 @!p0 $0x1;
	_ =	shalt  }
.Lfunc_end2:
_tile_overlayer_lowered:
.L_overlay_start_2:
0x61: {  	(tag) =	ssettag $0x2  }
0x62: {  	s0 =	rddreg [dreg:$0x0];
	s2 =	stileid.u32  }
0x63: {  	s1 =	rddreg [dreg:$0x1];
	p0 =	sne.s32 s2, $0x0  }
0x64: {  	s3 =	rddreg [dreg:$0x2];
	[bflag:$0x3] =	sbarrier.arrive $0xFFFF;
	s2 =	simm.s32 @!p0 $0x1C03  }
0x65: {  	[timem:s3], [sflag:s2] =	dma.local @!p0 [hbm:s0], s1  }
0x66: {  	s0 =	simm.s32 @!p0 $0x3  }
0x67: {  	_ =	swait.ge @!p0 [sflag:s0], s1  }
0x68: {  	s1 =	ssub.s32 @!p0 $0x0, s1;
	[sflag:s0] =	ssyncset.done @!p0 $0x0  }
0x69: {  	[sflag:s0] =	ssyncadd.s32 @!p0 s1  }
0x6a: {  	[bflag:$0x3] =	sbarrier.arrive $0xFFFF  }
0x6b: {  	_ =	shalt  }

// kernel: kernel.7.cloned.1.call-start
scs
__scs_entry_jumppad:
0x0: {  	(pc) =	sbr.rel $0x88, $3  }
0x1: {  	(tag) =	ssettag $0x0;
	lr =	simm.s32 $0x1  }
0x2: {  	[smem:$0x3F9B] =	sst lr;
	_ =	strace $0xD0000000  }
0x3: {  	_ = 	snop  }
0x4: {  	_ = 	snop  }
0x5: {  	_ = 	snop  }
0x6: {  	_ = 	snop  }
0x7: {  	_ = 	snop  }
__scs_overlays_trampoline_lowered:
0x8: {  	[smem:$0x3FAA] =	sst s0  }
0x9: {  	[smem:$0x3FAB] =	sst s1  }
0xa: {  	[smem:$0x3FAC] =	sst s2  }
0xb: {  	[smem:$0x3FAD] =	sst s3  }
0xc: {  	[smem:$0x3FAE] =	sst s4  }
0xd: {  	[smem:$0x3FAF] =	sst s5  }
0xe: {  	[smem:$0x3FB0] =	sst s6  }
0xf: {  	[smem:$0x3FB1] =	sst s7  }
0x10: {  	[smem:$0x3FB2] =	sst s8  }
0x11: {  	[smem:$0x3FB3] =	sst s9;
	s0 =	simm.s32 @!p0 $0x0  }
0x12: {  	s1 =	sld [smem:$0x3F99];
	s0 =	simm.s32 @p0 $0x1  }
0x13: {  	[smem:$0x3FB4] =	sst s0;
	s0 =	simm.s32 @!p1 $0x0  }
0x14: {  	s2 =	sld [smem:$0x3F98];
	s0 =	simm.s32 @p1 $0x1  }
0x15: {  	[smem:$0x3FB5] =	sst s0;
	s0 =	simm.s32 @!p2 $0x0  }
0x16: {  	s3 =	sld [smem:$0x3FDB];
	s0 =	simm.s32 @p2 $0x1  }
0x17: {  	s4 =	simm.s32 $0x1BF5;
	[smem:$0x3FB7] =	sst s0  }
0x18: {  	s0 =	sld [smem:$0x3F9A];
	_ =	swait.ge [sflag:s4], $0x0  }
0x19: {  	s7 =	sld [smem:$0x3F9B]  }
0x1a: {  	s8 =	sadd.s32 $0xFFFFE003, lr  }
0x1b: {  	s9 =	sadd.s32 $0xFFFFFEF7, lr;
	s5 =	simm.s32 $0xFFFFFFFF;
	p2 =	slt.u32 s8, $0xFFFFF086  }
0x1c: {  	p1 =	slt.u32 s9, $0xF7A;
	s5 =	simm.s32 @!p2 $0x0  }
0x1d: {  	s5 =	simm.s32 @p1 $0x1;
	p0 =	seq.s32 s7, s2  }
0x1e: {  	s7 =	smul.u32 @!p0 $0xF7A, s2;
	p2 =	seq.s32 @!p0 s5, $0x0  }
0x1f: {  	s9 =	smul.u32 $0xF7A, s1;
	s8 =	simm.s32 @!p0 $0x1BF5;
	p2 =	por !p2, p0  }
0x20: {  	[sflag:s8] =	ssyncset.s32 @!p0 $0xFFFFF086;
	s6 =	sadd.s32 @!p0 s3, s7;
	s7 =	simm.s32 @!p0 $0x108  }
0x21: {  	s3 =	sadd.s32 s3, s9;
	s6 =	sadd.s32 @!p0 $0x88, s6;
	s7 =	simm.s32 @p2 $0x1082  }
0x22: {  	[simem:s7], [sflag:s8] =	dma.local @!p0 [hbm:s6], $0xF7A  }
0x23: {  	s9 =	sor.u32 $0xD0000000, s2;
	s6 =	simm.s32 $0x108;
	_ =	swait.ge @!p0 [sflag:s8], $0x0  }
0x24: {  	s3 =	sadd.s32 $0x88, s3;
	s6 =	simm.s32 @!p1 $0x1082;
	[sflag:s4] =	ssyncset.s32 $0xFFFFF086  }
0x25: {  	[simem:s6], [sflag:s4] =	dma.local [hbm:s3], $0xF7A  }
0x26: {  	[smem:$0x3F9B] =	sst s1;
	(tag) =	ssettag s2;
	_ =	strace s9  }
0x27: {  	s1 =	sld [smem:$0x3FAB]  }
0x28: {  	s2 =	sld [smem:$0x3FAC]  }
0x29: {  	s4 =	sld [smem:$0x3FAE]  }
0x2a: {  	p0 =	seq.s32 s5, $0x0;
	s5 =	sld [smem:$0x3FAF]  }
0x2b: {  	s6 =	sld [smem:$0x3FB0]  }
0x2c: {  	s7 =	sld [smem:$0x3FB1]  }
0x2d: {  	s3 =	simm.s32 $0x108;
	s8 =	sld [smem:$0x3FB2]  }
0x2e: {  	s3 =	simm.s32 @!p0 $0x1082;
	s9 =	sld [smem:$0x3FB3]  }
0x2f: {  	lr =	sadd.s32 s0, s3;
	s0 =	sld [smem:$0x3FAA]  }
0x30: {  	s3 =	sld [smem:$0x3FAD]  }
0x31: {  	[smem:$0x3FB6] =	sst s10  }
0x32: {  	s10 =	sld [smem:$0x3FB4];
	_ =	sdelay $0x3  }
0x33: {  	p0 =	seq.s32 s10, $0x1;
	s10 =	sld [smem:$0x3FB6];
	_ =	sdelay $0x3  }
0x34: {  	[smem:$0x3FB6] =	sst s10  }
0x35: {  	s10 =	sld [smem:$0x3FB5];
	_ =	sdelay $0x3  }
0x36: {  	p1 =	seq.s32 s10, $0x1;
	s10 =	sld [smem:$0x3FB6];
	_ =	sdelay $0x3  }
0x37: {  	[smem:$0x3FB6] =	sst s10  }
0x38: {  	s10 =	sld [smem:$0x3FB7]  }
0x39: {  	_ = 	snop;
	(pc) =	sbr.ind lr, $3  }
0x3a: {  	_ = 	snop  }
0x3b: {  	_ = 	snop  }
0x3c: {  	p2 =	seq.s32 s10, $0x1;
	s10 =	sld [smem:$0x3FB6]  }
0x3d: {  	_ =	shalt  }
0x3e: {  	_ =	shalt  }
0x3f: {  	_ =	shalt  }
0x40: {  	_ =	shalt  }
0x41: {  	_ =	shalt  }
0x42: {  	_ =	shalt  }
0x43: {  	_ =	shalt  }
0x44: {  	_ =	shalt  }
0x45: {  	_ =	shalt  }
0x46: {  	_ =	shalt  }
0x47: {  	_ =	shalt  }
0x48: {  	_ =	shalt  }
0x49: {  	_ =	shalt  }
0x4a: {  	_ =	shalt  }
0x4b: {  	_ =	shalt  }
0x4c: {  	_ =	shalt  }
0x4d: {  	_ =	shalt  }
0x4e: {  	_ =	shalt  }
0x4f: {  	_ =	shalt  }
0x50: {  	_ =	shalt  }
0x51: {  	_ =	shalt  }
0x52: {  	_ =	shalt  }
0x53: {  	_ =	shalt  }
0x54: {  	_ =	shalt  }
0x55: {  	_ =	shalt  }
0x56: {  	_ =	shalt  }
0x57: {  	_ =	shalt  }
0x58: {  	_ =	shalt  }
0x59: {  	_ =	shalt  }
0x5a: {  	_ =	shalt  }
0x5b: {  	_ =	shalt  }
0x5c: {  	_ =	shalt  }
0x5d: {  	_ =	shalt  }
0x5e: {  	_ =	shalt  }
0x5f: {  	_ =	shalt  }
0x60: {  	_ =	shalt  }
0x61: {  	_ =	shalt  }
0x62: {  	_ =	shalt  }
0x63: {  	_ =	shalt  }
0x64: {  	_ =	shalt  }
0x65: {  	_ =	shalt  }
0x66: {  	_ =	shalt  }
0x67: {  	_ =	shalt  }
0x68: {  	_ =	shalt  }
0x69: {  	_ =	shalt  }
0x6a: {  	_ =	shalt  }
0x6b: {  	_ =	shalt  }
0x6c: {  	_ =	shalt  }
0x6d: {  	_ =	shalt  }
0x6e: {  	_ =	shalt  }
0x6f: {  	_ =	shalt  }
0x70: {  	_ =	shalt  }
0x71: {  	_ =	shalt  }
0x72: {  	_ =	shalt  }
0x73: {  	_ =	shalt  }
0x74: {  	_ =	shalt  }
0x75: {  	_ =	shalt  }
0x76: {  	_ =	shalt  }
0x77: {  	_ =	shalt  }
0x78: {  	_ =	shalt  }
0x79: {  	_ =	shalt  }
0x7a: {  	_ =	shalt  }
0x7b: {  	_ =	shalt  }
0x7c: {  	_ =	shalt  }
0x7d: {  	_ =	shalt  }
0x7e: {  	_ =	shalt  }
0x7f: {  	_ =	shalt  }
0x80: {  	_ =	shalt  }
0x81: {  	_ =	shalt  }
0x82: {  	_ =	shalt  }
0x83: {  	_ =	shalt  }
0x84: {  	_ =	shalt  }
0x85: {  	_ =	shalt  }
0x86: {  	_ =	shalt  }
0x87: {  	_ =	shalt  }
.Lfunc_end0:
.L_simem_size_0:
called_computation_lowered:
.L_overlay_start_0:
0x88: {  	s2 =	sld [smem:$0x3FD9]  }
0x89: {  	s3 =	sld [smem:$0x3FFE];
	_ =	sdelay $0x1  }
0x8a: {  	s1 =	srdreg.scid  }
0x8b: {  	s0 =	sand.u32 $0x1, s1  }
0x8c: {  	s17 =	sshll.u32 s0, $0xA;
	s2 =	sadd.s32 s3, s2  }
0x8d: {  	s2 =	sadd.s32 s2, s17  }
0x8e: {  	[smem:$0x3FC2] =	sst s2  }
0x8f: {  	_ = 	snop  }
0x90: {  	s18 =	sld [smem:$0x3FD0];
	(tm) =	ssettm $0x1  }
0x91: {  	s19 =	sld [smem:$0x3FFB];
	_ =	sdelay $0x3  }
0x92: {  	_ =	strace s19  }
0x93: {  	s2 =	sld [smem:$0x3FFC];
	_ =	sdelay $0x3  }
0x94: {  	_ =	strace s2  }
0x95: {  	s2 =	sld [smem:$0x3FFD];
	_ =	sdelay $0x3  }
0x96: {  	_ =	strace s2  }
0x97: {  	_ =	strace $0x8FFFFFFF  }
0x98: {  	s20 =	sld [smem:$0x3FDB];
	_ =	sdelay $0x1  }
0x99: {  	s4 =	simm.s32 $_scs_section_size  }
0x9a: {  	s5 =	simm.s32 $_size__tile_overlayer_lowered;
	s6 =	simm.s32 $_tile_overlayer_lowered  }
0x9b: {  	s7 =	simm.s32 $0x1BFF;
	s21 =	sshll.u32 s6, $0x1;
	s4 =	sadd.s32 s4, s20  }
0x9c: {  	s22 =	simm.s32 $0x0;
	s5 =	sshll.u32 s5, $0x1;
	s6 =	sadd.s32 s21, s4  }
0x9d: {  	[timem:s22], [sflag:s7] =	dma.local [hbm:s6], s5  }
0x9e: {  	_ =	swait.ge [sflag:s7], s5  }
0x9f: {  	s5 =	ssub.s32 $0x0, s5;
	[sflag:s7] =	ssyncset.done $0x0  }
0xa0: {  	[sflag:s7] =	ssyncadd.s32 s5;
	_ =	sdelay $0x1  }
0xa1: {  	s23 =	simm.s32 $0x1B8B  }
0xa2: {  	_ =	swait.ge [sflag:s23], $0x1  }
0xa3: {  	[sflag:s23] =	ssyncset.done $0x0  }
0xa4: {  	[sflag:s23] =	ssyncadd.s32 $0xFFFFFFFF  }
0xa5: {  	s5 =	sld [smem:$0x0]  }
0xa6: {  	s6 =	sand.u32 $0xFFFFFFFE, s1  }
0xa7: {  	p0 =	sne.s32 s1, s6  }
0xa8: {  	s6 =	sshll.u32 @p0 s6, $0xE  }
0xa9: {  	s6 =	sadd.s32 @p0 $0x11B8D, s6;
	s7 =	sshll.u32 @p0 s5, $0x11  }
0xaa: {  	s6 =	sor.u32 @p0 s7, s6  }
0xab: {  	[sflag:s6] =	ssyncadd.remote.s32 @p0 $0x1;
	_ =	sdelay $0x1  }
0xac: {  	s6 =	simm.s32 @p0 $0x1B8D  }
0xad: {  	_ =	swait.eq @p0 [sflag:s6], $0x1  }
0xae: {  	[sflag:s6] =	ssyncadd.s32 @p0 $0xFFFFFFFF  }
0xaf: {  	s7 =	sshll.u32 @!p0 s1, $0xE  }
0xb0: {  	s7 =	sor.u32 @!p0 $0x4000, s7;
	s6 =	simm.s32 @!p0 $0x1B8D  }
0xb1: {  	s5 =	sshll.u32 @!p0 s5, $0x11;
	s7 =	sadd.s32 @!p0 $0x11B8D, s7;
	_ =	swait.eq @!p0 [sflag:s6], $0x1  }
0xb2: {  	s5 =	sor.u32 @!p0 s5, s7;
	[sflag:s6] =	ssyncadd.s32 @!p0 $0xFFFFFFFF  }
0xb3: {  	s25 =	simm.s32 $0x1B8E;
	s24 =	sld [smem:$0x3FFE];
	[sflag:s5] =	ssyncadd.remote.s32 @!p0 $0x1  }
0xb4: {  	s26 =	simm.s32 $execute0_lowered;
	[smem:$0x3FD2] =	sst s25  }
0xb5: {  	s6 =	sshll.u32 s26, $0x1;
	_ =	strace $0x80000049;
	[dreg:$0x1] =	wrdreg $0xFFFFFFFF  }
0xb6: {  	s28 =	simm.s32 $_size_execute0_lowered;
	s4 =	sadd.s32 s4, s6;
	[dreg:$0x0] =	wrdreg $0x0  }
0xb7: {  	s6 =	sshll.u32 s28, $0x1;
	[dreg:$0x2] =	wrdreg s4  }
0xb8: {  	[dreg:$0x3] =	wrdreg s6  }
0xb9: {  	[dreg:$0x4] =	wrdreg $0xC0  }
0xba: {  	_ =	task [dreg:s22], $0x5FFFF  }
0xbb: {  	[dreg:$0x1] =	wrdreg $0xFFFFFFFF  }
0xbc: {  	[dreg:$0x0] =	wrdreg $0x60  }
0xbd: {  	[dreg:$0x2] =	wrdreg s24  }
0xbe: {  	[dreg:$0x3] =	wrdreg s18  }
0xbf: {  	[dreg:$0x4] =	wrdreg $0x9  }
0xc0: {  	_ =	task.clear_ibuf [dreg:s22], $0x5FFFF;
	_ =	strace $0x90000049  }
0xc1: {  	s29 =	simm.s32 $0x9;
	_ =	strace $0x8000004B  }
0xc2: {  	_ =	swait.ge [sflag:s29], $0x1  }
0xc3: {  	[sflag:s29] =	ssyncadd.s32 $0xFFFFFFFF  }
0xc4: {  	_ =	strace $0x9000004B  }
0xc5: {  	_ =	sfence  }
0xc6: {  	s30 =	sld [smem:$0x0];
	_ =	sdelay $0x2  }
0xc7: {  	s31 =	sshll.u32 s1, $0xD;
	s1 =	sshrl.u32 s1, $0x2  }
0xc8: {  	s4 =	sand.u32 $0x4000, s31;
	s1 =	sadd.s32 s1, s30  }
0xc9: {  	s0 =	sor.u32 s4, s0;
	s1 =	sshll.u32 s1, $0x11  }
0xca: {  	s0 =	sor.u32 s1, s0  }
0xcb: {  	s0 =	sadd.s32 $0x8F2B, s0  }
0xcc: {  	[sflag:s0] =	ssyncadd.remote.s32 $0x1  }
0xcd: {  	_ =	sfence.sel $0xFFFF  }
0xce: {  	[dreg:$0x0] =	wrdreg $0xFFFFFFFF;
	(pc) =	sbr.abs _section_cstart, $3  }
0xcf: {  	[dreg:$0x1] =	wrdreg $0xFFFFFFFF  }
0xd0: {  	_ =	task.clear_ibuf [dreg:s22], $0x2FFFF;
	_ =	strace $0x9FFFFFFF  }
0xd1: {  	(tm) =	ssettm $0x7FFFFFFF  }
tec
execute0_lowered:
.L_overlay_start_1:
0x0: {  	(tag) =	ssettag $0x1  }
0x1: {  	s0 =	srdreg.scid;
	s6 =	rddreg [dreg:$0x0]  }
0x2: {  	s2 =	rddreg [dreg:$0x1];
	s4 =	sand.u32 $0x1, s0  }
0x3: {  	s3 =	simm.s32 $0x0;
	s0 =	stileid.u32;
	s1 =	sshll.u32 s4, $0x4  }
0x4: {  	s9 =	simm.s32 $0x80;
	s10 =	simm.s32 $0x400;
	s5 =	sor.u32 s0, s1  }
0x5: {  	s11 =	simm.s32 $0x0;
	[smem:$0x7FF] =	sst s3;
	s1 =	sshrl.u32 s5, $0x3  }
0x6: {  	s8 =	sshll.u32 s0, $0x7;
	s4 =	ssub.s32 $0x2, s4;
	s7 =	smul.u32 $0x14000, s1  }
0x7: {  	s8 =	sand.u32 $0x380, s8;
	s31 =	sshrl.u32 s4, $0x1;
	s5 =	smul.u32 $0x2780, s5  }
0x8: {  	s1 =	rddreg [dreg:$0x2];
	_ =	strace $0x8000004A;
	s7 =	sor.u32 s8, s7  }
0x9: {  	s5 =	sadd.s32 s5, s6;
	s8 =	simm.s32 $0x1;
	s7 =	sshrl.u32 s7, $0x3  }
0xa: {  	s6 =	sadd.s32 s7, s6;
	s7 =	ssub.s32 s4, s31;
	s4 =	sadd.s32 $0x8D200, s5  }
0xb: {  	v0 =	vimm.f32 $1.000000000e+00;
	s5 =	sadd.s32 $0xDC200, s6;
	s6 =	smax.u32 s7, $0x1;
	s7 =	simm.s32 $0x13C00  }
.LBB2_1:
0xc: {  	[tilespmem:s7], [sflag:$0x1] =	stream.linear.gather [hbm4b:s2+s3], $0x2800, $0x38;
	[tilespmem:$0x16400] =	vst v63  }
0xd: {  	_ =	swait.ge [sflag:s8], $0x2800  }
0xe: {  	[sflag:s8] =	ssyncset.done $0x0  }
0xf: {  	[sflag:s8] =	ssyncadd.s32 $0xFFFFD800  }
0x10: {  	[tilespmem:s3], [sflag:$0x1] =	stream.linear.gather [hbm4b:s4+s3], $0x13880, $0x38;
	[tilespmem:$0x16400] =	vst v63  }
0x11: {  	_ =	swait.ge [sflag:s8], $0x13880  }
0x12: {  	[sflag:s8] =	ssyncset.done $0x0  }
0x13: {  	s13 =	simm.s32 $0x0;
	s12 =	simm.s32 $0x200;
	[sflag:s8] =	ssyncadd.s32 $0xFFFEC780  }
.LBB2_2:
0x14: {  	p0 =	sne.s32 s12, $0x4E000;
	v1 =	vld [tilespmem:s13+$0x0];
	_ =	sdelay $0x3  }
.Ltmp0:
0x15: {  	(pc) =	sbr.rel @p0 .LBB2_2-.Ltmp0, $2  }
0x16: {  	_ =	sdelay $0x2  }
0x17: {  	s13 =	sshra.s32 s12, $0x2;
	s12 =	sadd.s32 $0x200, s12;
	[tilespmem:v1+s7+$0x0] =	vst.idx.add.f32.msk $0xffff, v0  }
0x18: {  	v1 =	vld [tilespmem:s13+$0x0];
	_ =	sdelay $0x5  }
0x19: {  	s11 =	sadd.s32 $0x1, s11  }
0x1a: {  	p0 =	sne.s32 s11, s6  }
.Ltmp1:
0x1b: {  	[tilespmem:v1+s7+$0x0] =	vst.idx.add.f32.msk $0xffff, v0;
	(pc) =	sbr.rel @p0 .LBB2_1-.Ltmp1, $4  }
0x1c: {  	[hbm4b:s5+s9] =	stream.strided.scatter [tilespmem:s7], [sflag:$0x1], $0x2800, s10, s9, $0x38;
	[tilespmem:$0x16400] =	vst v63  }
0x1d: {  	_ =	swait.ge [sflag:s8], $0x2800  }
0x1e: {  	[sflag:s8] =	ssyncset.done $0x0  }
0x1f: {  	[sflag:s8] =	ssyncadd.s32 $0xFFFFD800  }
0x20: {  	_ =	sfence.sel $0x180000  }
0x21: {  	[bflag:$0x0] =	sbarrier.arrive $0xFFFF  }
0x22: {  	p0 =	sne.s32 s0, $0x0;
	_ =	strace $0x9000004A  }
0x23: {  	s0 =	sadd.s32 @!p0 $0x100000, s1;
	[bflag:$0x2] =	sbarrier.arrive $0xFFFF  }
0x24: {  	[sflag:s0] =	ssyncadd.tile.s32 @!p0 $0x1;
	_ =	shalt  }
.Lfunc_end2:
_tile_overlayer_lowered:
.L_overlay_start_2:
0x25: {  	(tag) =	ssettag $0x2  }
0x26: {  	s0 =	rddreg [dreg:$0x0];
	s2 =	stileid.u32  }
0x27: {  	s1 =	rddreg [dreg:$0x1];
	p0 =	sne.s32 s2, $0x0  }
0x28: {  	s3 =	rddreg [dreg:$0x2];
	[bflag:$0x3] =	sbarrier.arrive $0xFFFF;
	s2 =	simm.s32 @!p0 $0x1C01  }
0x29: {  	[timem:s3], [sflag:s2] =	dma.local @!p0 [hbm:s0], s1  }
0x2a: {  	s0 =	simm.s32 @!p0 $0x1  }
0x2b: {  	_ =	swait.ge @!p0 [sflag:s0], s1  }
0x2c: {  	s1 =	ssub.s32 @!p0 $0x0, s1;
	[sflag:s0] =	ssyncset.done @!p0 $0x0  }
0x2d: {  	[sflag:s0] =	ssyncadd.s32 @!p0 s1  }
0x2e: {  	[bflag:$0x3] =	sbarrier.arrive $0xFFFF  }
0x2f: {  	_ =	shalt  }

</sc_bundles>
